<compile_context>
chip_gen: v7x
topology: tpu7x:2x2x1
jax: 0.10.2.dev20260603
libtpu: 0.0.44.dev20260713+nightly
codegen_flags: <defaults>
</compile_context>

<pallas_src>
import jax
import jax.numpy as jnp
from jax import lax
from jax.experimental import pallas as pl
from jax.experimental.pallas import tpu as pltpu
from jax.experimental.pallas import tpu_sc as plsc

_VOCAB = 32000
_D = 512
_T = 8192
_NC = 2
_NS = 16
_NW = _NC * _NS
_TPW = _T // _NW
_CHUNK = 64
_NCHUNK = _TPW // _CHUNK
_LANES = 16
_NVEC = _D // _LANES
_UNROLL = 4


def _gat(vec, idx):
    dnums = lax.GatherDimensionNumbers(
        offset_dims=(), collapsed_slice_dims=(0,), start_index_map=(0,))
    return lax.gather(vec, idx[:, None], dnums, (1,),
                      mode=lax.GatherScatterMode.PROMISE_IN_BOUNDS)


def _bcast(vec, lane):
    return _gat(vec, jnp.full((_LANES,), lane, jnp.int32))


def _body(ids_hbm, cu_hbm, table_hbm, out_hbm, idx_v, rows_v, w_v, cu_v,
          acc_v, sems):
    cid = lax.axis_index("c")
    sid = lax.axis_index("s")
    wid = cid * _NS + sid
    base = wid * _TPW

    cu_d = pltpu.make_async_copy(cu_hbm, cu_v.at[pl.ds(0, 9)], sems.at[1])
    idx_d = pltpu.make_async_copy(
        ids_hbm.at[pl.ds(base, _TPW)], idx_v, sems.at[1])
    cu_d.start()
    idx_d.start()

    def gather_descr(c):
        return pltpu.make_async_copy(
            table_hbm.at[idx_v.at[pl.ds(c * _CHUNK, _CHUNK)]],
            rows_v.at[c & 1], sems.at[c & 1])

    idx_d.wait()
    gather_descr(0).start()
    cu_d.wait()

    lanes = lax.iota(jnp.int32, 16)
    cuv = cu_v[...]
    cks = [_bcast(cuv, k) for k in range(1, 9)]

    def wgrp(jj, carry):
        t = base + jj * _LANES + lanes
        seg = jnp.zeros((_LANES,), jnp.int32)
        for ck in cks:
            seg = seg + jnp.where(ck <= t, 1, 0)
        start = _gat(cuv, seg)
        end = _gat(cuv, seg + 1)
        pos = t - start
        seg_len = end - start
        w = ((pos + 1) * (seg_len - pos)).astype(jnp.float32)
        w_v[pl.ds(jj * _LANES, _LANES)] = w
        return carry

    lax.fori_loop(0, _TPW // _LANES, wgrp, jnp.int32(0))

    def chunk_body(c, accs):
        nxt = jnp.minimum(c + 1, _NCHUNK - 1)

        @pl.when(c + 1 < _NCHUNK)
        def _():
            gather_descr(nxt).start()

        gather_descr(c).wait()
        buf = c & 1

        def rowit(it, accs):
            wq = w_v[pl.ds(c * _CHUNK + it * _UNROLL, _LANES)]
            accs = list(accs)
            for u in range(_UNROLL):
                row = it * _UNROLL + u
                ss = [rows_v[buf, row, pl.ds(j * _LANES, _LANES)]
                      for j in range(4)]
                for j in range(4, _NVEC):
                    ss[j & 3] = ss[j & 3] + rows_v[
                        buf, row, pl.ds(j * _LANES, _LANES)]
                s = (ss[0] + ss[1]) + (ss[2] + ss[3])
                accs[u] = accs[u] + _bcast(wq, u) * s
            return tuple(accs)

        return lax.fori_loop(0, _CHUNK // _UNROLL, rowit, accs)

    accs = tuple(jnp.zeros((_LANES,), jnp.float32) for _ in range(_UNROLL))
    accs = lax.fori_loop(0, _NCHUNK, chunk_body, accs)

    parts = list(accs)
    while len(parts) > 1:
        parts = [parts[i] + parts[i + 1] for i in range(0, len(parts), 2)]
    acc_v[...] = parts[0]
    pltpu.sync_copy(acc_v, out_hbm.at[wid])


@jax.jit
def _run(ids3, cu16, table):
    mesh = plsc.VectorSubcoreMesh(core_axis_name="c", subcore_axis_name="s")
    kern = pl.kernel(
        _body,
        out_type=jax.ShapeDtypeStruct((_NW, _LANES), jnp.float32),
        mesh=mesh,
        scratch_types=[
            pltpu.VMEM((_TPW,), jnp.int32),
            pltpu.VMEM((2, _CHUNK, _D), jnp.float32),
            pltpu.VMEM((_TPW + _LANES,), jnp.float32),
            pltpu.VMEM((_LANES,), jnp.int32),
            pltpu.VMEM((_LANES,), jnp.float32),
            pltpu.SemaphoreType.DMA((2,)),
        ],
    )
    return kern(ids3, cu16, table)


def kernel(token_ids, cu_seqlens, table):
    partials = _run(token_ids.astype(jnp.int32),
                    cu_seqlens.astype(jnp.int32), table)
    return jnp.sum(partials)

# --- scband reference (transcript-rebuilt; emitter-appended) ---
"""Pipeline reference for scband-net-11106785427722 (READ-ONLY COPY).

The authoritative reference and input builder live on the scoring server;
editing this copy changes nothing except your own understanding.
"""

import jax, jax.numpy as jnp
import numpy as np

VOCAB = 32000
D = 512
T = 8192
B = 8


def setup_inputs(seed: int = 0) -> dict:
    key = jax.random.key(seed)
    k1, k2, k3 = jax.random.split(key, 3)
    # ragged batch represented as flat token ids + cumulative sequence lengths
    token_ids = jax.random.randint(k1, (T,), 0, VOCAB, dtype=jnp.int64)
    mids = jnp.sort(jax.random.randint(k2, (B - 1,), 1, T)).astype(jnp.int32)
    cu_seqlens = jnp.concatenate([
        jnp.zeros((1,), jnp.int32), mids, jnp.full((1,), T, jnp.int32)
    ])
    # learned embedding table (the `embed` module passed to Net.__init__)
    table = jax.random.normal(k3, (VOCAB, D), dtype=jnp.float32) * 0.02
    return {"token_ids": token_ids, "cu_seqlens": cu_seqlens, "table": table}


def reference(token_ids, cu_seqlens, table):
    # batch.to_padded_tensor() -> self.embed(padded) is equivalent (up to
    # padding positions, which carry no chart nodes) to embedding the flat
    # ragged tokens directly.
    emb = jnp.take(table, token_ids, axis=0)  # [T, D]

    # DenseChart(seq): chart over all spans (i, j), 0 <= i < j <= L, with
    # node_feat[i, j] = sum of embeddings in positions i..j-1.
    # ChartBatch.from_chart_list(...).node_feat.sum() therefore equals
    # sum over sequences of sum over spans of span-sums, which collapses to
    # sum_t w_t * emb[t] with w_t = (pos_t + 1) * (L_seq - pos_t), the number
    # of spans covering token t within its sequence.
    Tn = token_ids.shape[0]
    t = jnp.arange(Tn)
    seg = jnp.searchsorted(cu_seqlens, t, side='right') - 1  # segment id per token
    start = cu_seqlens[seg]
    end = cu_seqlens[seg + 1]
    pos = t - start
    L = end - start
    w = ((pos + 1) * (L - pos)).astype(emb.dtype)  # [T]
    return jnp.sum(w[:, None] * emb)

if __name__ == "__main__":
    import jax
    _d = setup_inputs()
    print(jax.jit(kernel)(*tuple(_d.values())))

</pallas_src>

<mosaic_0001>
#map = affine_map<(d0, d1) -> (0)>
#map1 = affine_map<(d0, d1) -> (0, 0)>
module attributes {stable_mosaic.version = 14 : i64} {
  func.func @_body(%arg0: i32, %arg1: i32, %arg2: memref<8192xi32, #tpu.memory_space<hbm>>, %arg3: memref<9xi32, #tpu.memory_space<hbm>>, %arg4: memref<32000x512xf32, #tpu.memory_space<hbm>>, %arg5: memref<32x16xf32, #tpu.memory_space<hbm>>, %arg6: memref<256xi32, #tpu.memory_space<vmem>>, %arg7: memref<2x64x512xf32, #tpu.memory_space<vmem>>, %arg8: memref<272xf32, #tpu.memory_space<vmem>>, %arg9: memref<16xi32, #tpu.memory_space<vmem>>, %arg10: memref<16xf32, #tpu.memory_space<vmem>>, %arg11: memref<2x!tpu.dma_semaphore, #tpu.memory_space<semaphore_mem>>) attributes {dimension_semantics = [#tpu.dimension_semantics<core_parallel>, #tpu.dimension_semantics<subcore_parallel>], iteration_bounds = array<i64: 2, 16>, scalar_prefetch = 0 : i64, scratch_operands = 6 : i64, tpu.core_type = #tpu.core_type<sc_vector_subcore>, window_params = [{transform_indices = #map}, {transform_indices = #map}, {transform_indices = #map1}, {transform_indices = #map1}]} {
    %mul3A = arith.constant 16 : i32
    %mul3A_0 = arith.muli %arg0, %mul3A : i32
    %add3A = arith.addi %mul3A_0, %arg1 : i32
    %mul3A_1 = arith.constant 256 : i32
    %mul3A_2 = arith.muli %add3A, %mul3A_1 : i32
    %dma_start3A = arith.constant 1 : i32
    %dma_start3A_3 = arith.constant 0 : i32
    %dma_start3A_4 = tpu.memref_slice %arg9[%dma_start3A_3] : memref<16xi32, #tpu.memory_space<vmem>> -> memref<9xi32, #tpu.memory_space<vmem>>
    %dma_start3A_5 = tpu.memref_slice %arg11[%dma_start3A] : memref<2x!tpu.dma_semaphore, #tpu.memory_space<semaphore_mem>> -> memref<1x!tpu.dma_semaphore, #tpu.memory_space<semaphore_mem>>
    %dma_start3A_6 = tpu.memref_squeeze %dma_start3A_5 : memref<1x!tpu.dma_semaphore, #tpu.memory_space<semaphore_mem>> -> memref<!tpu.dma_semaphore, #tpu.memory_space<semaphore_mem>>
    %dma_start3A_7 = arith.constant 0 : i32
    %dma_start3A_8 = tpu.memref_slice %arg9[%dma_start3A_7] : memref<16xi32, #tpu.memory_space<vmem>> -> memref<9xi32, #tpu.memory_space<vmem>>
    tpu.enqueue_dma source(%arg3 : memref<9xi32, #tpu.memory_space<hbm>>) target(%dma_start3A_8 : memref<9xi32, #tpu.memory_space<vmem>>) target_semaphore(%dma_start3A_6 : memref<!tpu.dma_semaphore, #tpu.memory_space<semaphore_mem>>)
    %dma_start3A_9 = arith.constant 1 : i32
    %dma_start3A_10 = tpu.memref_slice %arg2[%mul3A_2] : memref<8192xi32, #tpu.memory_space<hbm>> -> memref<256xi32, #tpu.memory_space<hbm>>
    %dma_start3A_11 = tpu.memref_slice %arg11[%dma_start3A_9] : memref<2x!tpu.dma_semaphore, #tpu.memory_space<semaphore_mem>> -> memref<1x!tpu.dma_semaphore, #tpu.memory_space<semaphore_mem>>
    %dma_start3A_12 = tpu.memref_squeeze %dma_start3A_11 : memref<1x!tpu.dma_semaphore, #tpu.memory_space<semaphore_mem>> -> memref<!tpu.dma_semaphore, #tpu.memory_space<semaphore_mem>>
    %dma_start3A_13 = tpu.memref_slice %arg2[%mul3A_2] : memref<8192xi32, #tpu.memory_space<hbm>> -> memref<256xi32, #tpu.memory_space<hbm>>
    tpu.enqueue_dma source(%dma_start3A_13 : memref<256xi32, #tpu.memory_space<hbm>>) target(%arg6 : memref<256xi32, #tpu.memory_space<vmem>>) target_semaphore(%dma_start3A_12 : memref<!tpu.dma_semaphore, #tpu.memory_space<semaphore_mem>>)
    %dma_wait3A = arith.constant 1 : i32
    %dma_wait3A_14 = tpu.memref_slice %arg2[%mul3A_2] : memref<8192xi32, #tpu.memory_space<hbm>> -> memref<256xi32, #tpu.memory_space<hbm>>
    %dma_wait3A_15 = tpu.memref_slice %arg11[%dma_wait3A] : memref<2x!tpu.dma_semaphore, #tpu.memory_space<semaphore_mem>> -> memref<1x!tpu.dma_semaphore, #tpu.memory_space<semaphore_mem>>
    %dma_wait3A_16 = tpu.memref_squeeze %dma_wait3A_15 : memref<1x!tpu.dma_semaphore, #tpu.memory_space<semaphore_mem>> -> memref<!tpu.dma_semaphore, #tpu.memory_space<semaphore_mem>>
    %dma_wait3A_17 = tpu.memref_slice %arg2[%mul3A_2] : memref<8192xi32, #tpu.memory_space<hbm>> -> memref<256xi32, #tpu.memory_space<hbm>>
    tpu.wait_dma2 semaphore(%dma_wait3A_16 : memref<!tpu.dma_semaphore, #tpu.memory_space<semaphore_mem>>) src(%dma_wait3A_17 : memref<256xi32, #tpu.memory_space<hbm>>) dst(%arg6 : memref<256xi32, #tpu.memory_space<vmem>>)
    %dma_start3A_18 = arith.constant 0 : i32
    %dma_start3A_19 = arith.constant 0 : i32
    %dma_start3A_20 = arith.constant 0 : i32
    %dma_start3A_21 = arith.constant 0 : i32
    %dma_start3A_22 = tpu.memref_slice %arg7[%dma_start3A_18, %dma_start3A_20, %dma_start3A_21] : memref<2x64x512xf32, #tpu.memory_space<vmem>> -> memref<1x64x512xf32, #tpu.memory_space<vmem>>
    %dma_start3A_23 = tpu.memref_squeeze %dma_start3A_22 : memref<1x64x512xf32, #tpu.memory_space<vmem>> -> memref<64x512xf32, #tpu.memory_space<vmem>>
    %dma_start3A_24 = arith.constant 0 : i32
    %dma_start3A_25 = tpu.memref_slice %arg6[%dma_start3A_24] : memref<256xi32, #tpu.memory_space<vmem>> -> memref<64xi32, #tpu.memory_space<vmem>>
    %dma_start3A_26 = arith.constant 0 : i32
    %dma_start3A_27 = arith.constant 0 : i32
    %dma_start3A_28 = tpu.memref_slice %arg4[%dma_start3A_26, %dma_start3A_27] : memref<32000x512xf32, #tpu.memory_space<hbm>> -> memref<32000x512xf32, #tpu.memory_space<hbm>>
    %dma_start3A_29 = tpu.memref_slice %arg11[%dma_start3A_19] : memref<2x!tpu.dma_semaphore, #tpu.memory_space<semaphore_mem>> -> memref<1x!tpu.dma_semaphore, #tpu.memory_space<semaphore_mem>>
    %dma_start3A_30 = tpu.memref_squeeze %dma_start3A_29 : memref<1x!tpu.dma_semaphore, #tpu.memory_space<semaphore_mem>> -> memref<!tpu.dma_semaphore, #tpu.memory_space<semaphore_mem>>
    tpu.enqueue_indirect_dma source(%dma_start3A_28 : memref<32000x512xf32, #tpu.memory_space<hbm>>) target(%dma_start3A_23 : memref<64x512xf32, #tpu.memory_space<vmem>>) offsets(%dma_start3A_25 : memref<64xi32, #tpu.memory_space<vmem>>) semaphore(%dma_start3A_30 : memref<!tpu.dma_semaphore, #tpu.memory_space<semaphore_mem>>)
    %dma_wait3A_31 = arith.constant 1 : i32
    %dma_wait3A_32 = arith.constant 0 : i32
    %dma_wait3A_33 = tpu.memref_slice %arg9[%dma_wait3A_32] : memref<16xi32, #tpu.memory_space<vmem>> -> memref<9xi32, #tpu.memory_space<vmem>>
    %dma_wait3A_34 = tpu.memref_slice %arg11[%dma_wait3A_31] : memref<2x!tpu.dma_semaphore, #tpu.memory_space<semaphore_mem>> -> memref<1x!tpu.dma_semaphore, #tpu.memory_space<semaphore_mem>>
    %dma_wait3A_35 = tpu.memref_squeeze %dma_wait3A_34 : memref<1x!tpu.dma_semaphore, #tpu.memory_space<semaphore_mem>> -> memref<!tpu.dma_semaphore, #tpu.memory_space<semaphore_mem>>
    %dma_wait3A_36 = arith.constant 0 : i32
    %dma_wait3A_37 = tpu.memref_slice %arg9[%dma_wait3A_36] : memref<16xi32, #tpu.memory_space<vmem>> -> memref<9xi32, #tpu.memory_space<vmem>>
    tpu.wait_dma2 semaphore(%dma_wait3A_35 : memref<!tpu.dma_semaphore, #tpu.memory_space<semaphore_mem>>) src(%arg3 : memref<9xi32, #tpu.memory_space<hbm>>) dst(%dma_wait3A_37 : memref<9xi32, #tpu.memory_space<vmem>>)
    %iota3A = tpu.iota {dimensions = array<i32: 0>} : vector<16xi32>
    %get3A = arith.constant 0 : index
    %get3A_38 = tpu.vector_load %arg9[%get3A] {strides = array<i32>} : memref<16xi32, #tpu.memory_space<vmem>>, vector<16xi32>,
    %get3A_39 = vector.shape_cast %get3A_38 : vector<16xi32> to vector<16xi32>
    %broadcast_in_dim3A = arith.constant 1 : i32
    %broadcast_in_dim3A_40 = vector.broadcast %broadcast_in_dim3A : i32 to vector<16xi32>
    %broadcast_in_dim3A_41 = vector.shape_cast %broadcast_in_dim3A_40 : vector<16xi32> to vector<16x1xi32>
    %gather3A = vector.shape_cast %broadcast_in_dim3A_41 : vector<16x1xi32> to vector<16xi32>
    %gather3A_42 = tpu.dynamic_gather %get3A_39[%gather3A] in [0] : vector<16xi32>, vector<16xi32> -> vector<16xi32>
    %broadcast_in_dim3A_43 = arith.constant 2 : i32
    %broadcast_in_dim3A_44 = vector.broadcast %broadcast_in_dim3A_43 : i32 to vector<16xi32>
    %broadcast_in_dim3A_45 = vector.shape_cast %broadcast_in_dim3A_44 : vector<16xi32> to vector<16x1xi32>
    %gather3A_46 = vector.shape_cast %broadcast_in_dim3A_45 : vector<16x1xi32> to vector<16xi32>
    %gather3A_47 = tpu.dynamic_gather %get3A_39[%gather3A_46] in [0] : vector<16xi32>, vector<16xi32> -> vector<16xi32>
    %broadcast_in_dim3A_48 = arith.constant 3 : i32
    %broadcast_in_dim3A_49 = vector.broadcast %broadcast_in_dim3A_48 : i32 to vector<16xi32>
    %broadcast_in_dim3A_50 = vector.shape_cast %broadcast_in_dim3A_49 : vector<16xi32> to vector<16x1xi32>
    %gather3A_51 = vector.shape_cast %broadcast_in_dim3A_50 : vector<16x1xi32> to vector<16xi32>
    %gather3A_52 = tpu.dynamic_gather %get3A_39[%gather3A_51] in [0] : vector<16xi32>, vector<16xi32> -> vector<16xi32>
    %broadcast_in_dim3A_53 = arith.constant 4 : i32
    %broadcast_in_dim3A_54 = vector.broadcast %broadcast_in_dim3A_53 : i32 to vector<16xi32>
    %broadcast_in_dim3A_55 = vector.shape_cast %broadcast_in_dim3A_54 : vector<16xi32> to vector<16x1xi32>
    %gather3A_56 = vector.shape_cast %broadcast_in_dim3A_55 : vector<16x1xi32> to vector<16xi32>
    %gather3A_57 = tpu.dynamic_gather %get3A_39[%gather3A_56] in [0] : vector<16xi32>, vector<16xi32> -> vector<16xi32>
    %broadcast_in_dim3A_58 = arith.constant 5 : i32
    %broadcast_in_dim3A_59 = vector.broadcast %broadcast_in_dim3A_58 : i32 to vector<16xi32>
    %broadcast_in_dim3A_60 = vector.shape_cast %broadcast_in_dim3A_59 : vector<16xi32> to vector<16x1xi32>
    %gather3A_61 = vector.shape_cast %broadcast_in_dim3A_60 : vector<16x1xi32> to vector<16xi32>
    %gather3A_62 = tpu.dynamic_gather %get3A_39[%gather3A_61] in [0] : vector<16xi32>, vector<16xi32> -> vector<16xi32>
    %broadcast_in_dim3A_63 = arith.constant 6 : i32
    %broadcast_in_dim3A_64 = vector.broadcast %broadcast_in_dim3A_63 : i32 to vector<16xi32>
    %broadcast_in_dim3A_65 = vector.shape_cast %broadcast_in_dim3A_64 : vector<16xi32> to vector<16x1xi32>
    %gather3A_66 = vector.shape_cast %broadcast_in_dim3A_65 : vector<16x1xi32> to vector<16xi32>
    %gather3A_67 = tpu.dynamic_gather %get3A_39[%gather3A_66] in [0] : vector<16xi32>, vector<16xi32> -> vector<16xi32>
    %broadcast_in_dim3A_68 = arith.constant 7 : i32
    %broadcast_in_dim3A_69 = vector.broadcast %broadcast_in_dim3A_68 : i32 to vector<16xi32>
    %broadcast_in_dim3A_70 = vector.shape_cast %broadcast_in_dim3A_69 : vector<16xi32> to vector<16x1xi32>
    %gather3A_71 = vector.shape_cast %broadcast_in_dim3A_70 : vector<16x1xi32> to vector<16xi32>
    %gather3A_72 = tpu.dynamic_gather %get3A_39[%gather3A_71] in [0] : vector<16xi32>, vector<16xi32> -> vector<16xi32>
    %broadcast_in_dim3A_73 = arith.constant 8 : i32
    %broadcast_in_dim3A_74 = vector.broadcast %broadcast_in_dim3A_73 : i32 to vector<16xi32>
    %broadcast_in_dim3A_75 = vector.shape_cast %broadcast_in_dim3A_74 : vector<16xi32> to vector<16x1xi32>
    %gather3A_76 = vector.shape_cast %broadcast_in_dim3A_75 : vector<16x1xi32> to vector<16xi32>
    %gather3A_77 = tpu.dynamic_gather %get3A_39[%gather3A_76] in [0] : vector<16xi32>, vector<16xi32> -> vector<16xi32>
    %scan3A = arith.constant 0 : i32
    %scan3A_78 = arith.constant 0 : i32
    %scan3A_79 = arith.constant 16 : i32
    %scan3A_80 = arith.addi %scan3A_78, %scan3A_79 : i32
    %scan3A_81 = arith.constant 1 : i32
    scf.for %scan3A_103 = %scan3A_78 to %scan3A_80 step %scan3A_81  : i32 {
      %mul3A_104 = arith.constant 16 : i32
      %mul3A_105 = arith.muli %scan3A_103, %mul3A_104 : i32
      %add3A_106 = arith.addi %mul3A_2, %mul3A_105 : i32
      %add3A_107 = vector.broadcast %add3A_106 : i32 to vector<16xi32>
      %add3A_108 = arith.addi %add3A_107, %iota3A : vector<16xi32>
      %broadcast_in_dim3A_109 = arith.constant 0 : i32
      %broadcast_in_dim3A_110 = vector.broadcast %broadcast_in_dim3A_109 : i32 to vector<16xi32>
      %le3A = arith.cmpi sle, %gather3A_42, %add3A_108 : vector<16xi32>
      %jit3A = arith.constant 1 : i32
      %jit3A_111 = arith.constant 0 : i32
      %broadcast_in_dim3A_112 = vector.broadcast %jit3A : i32 to vector<16xi32>
      %broadcast_in_dim3A_113 = vector.broadcast %jit3A_111 : i32 to vector<16xi32>
      %select_n3A = arith.select %le3A, %broadcast_in_dim3A_112, %broadcast_in_dim3A_113 : vector<16xi1>, vector<16xi32>
      %add3A_114 = arith.addi %broadcast_in_dim3A_110, %select_n3A : vector<16xi32>
      %le3A_115 = arith.cmpi sle, %gather3A_47, %add3A_108 : vector<16xi32>
      %jit3A_116 = arith.constant 1 : i32
      %jit3A_117 = arith.constant 0 : i32
      %broadcast_in_dim3A_118 = vector.broadcast %jit3A_116 : i32 to vector<16xi32>
      %broadcast_in_dim3A_119 = vector.broadcast %jit3A_117 : i32 to vector<16xi32>
      %select_n3A_120 = arith.select %le3A_115, %broadcast_in_dim3A_118, %broadcast_in_dim3A_119 : vector<16xi1>, vector<16xi32>
      %add3A_121 = arith.addi %add3A_114, %select_n3A_120 : vector<16xi32>
      %le3A_122 = arith.cmpi sle, %gather3A_52, %add3A_108 : vector<16xi32>
      %jit3A_123 = arith.constant 1 : i32
      %jit3A_124 = arith.constant 0 : i32
      %broadcast_in_dim3A_125 = vector.broadcast %jit3A_123 : i32 to vector<16xi32>
      %broadcast_in_dim3A_126 = vector.broadcast %jit3A_124 : i32 to vector<16xi32>
      %select_n3A_127 = arith.select %le3A_122, %broadcast_in_dim3A_125, %broadcast_in_dim3A_126 : vector<16xi1>, vector<16xi32>
      %add3A_128 = arith.addi %add3A_121, %select_n3A_127 : vector<16xi32>
      %le3A_129 = arith.cmpi sle, %gather3A_57, %add3A_108 : vector<16xi32>
      %jit3A_130 = arith.constant 1 : i32
      %jit3A_131 = arith.constant 0 : i32
      %broadcast_in_dim3A_132 = vector.broadcast %jit3A_130 : i32 to vector<16xi32>
      %broadcast_in_dim3A_133 = vector.broadcast %jit3A_131 : i32 to vector<16xi32>
      %select_n3A_134 = arith.select %le3A_129, %broadcast_in_dim3A_132, %broadcast_in_dim3A_133 : vector<16xi1>, vector<16xi32>
      %add3A_135 = arith.addi %add3A_128, %select_n3A_134 : vector<16xi32>
      %le3A_136 = arith.cmpi sle, %gather3A_62, %add3A_108 : vector<16xi32>
      %jit3A_137 = arith.constant 1 : i32
      %jit3A_138 = arith.constant 0 : i32
      %broadcast_in_dim3A_139 = vector.broadcast %jit3A_137 : i32 to vector<16xi32>
      %broadcast_in_dim3A_140 = vector.broadcast %jit3A_138 : i32 to vector<16xi32>
      %select_n3A_141 = arith.select %le3A_136, %broadcast_in_dim3A_139, %broadcast_in_dim3A_140 : vector<16xi1>, vector<16xi32>
      %add3A_142 = arith.addi %add3A_135, %select_n3A_141 : vector<16xi32>
      %le3A_143 = arith.cmpi sle, %gather3A_67, %add3A_108 : vector<16xi32>
      %jit3A_144 = arith.constant 1 : i32
      %jit3A_145 = arith.constant 0 : i32
      %broadcast_in_dim3A_146 = vector.broadcast %jit3A_144 : i32 to vector<16xi32>
      %broadcast_in_dim3A_147 = vector.broadcast %jit3A_145 : i32 to vector<16xi32>
      %select_n3A_148 = arith.select %le3A_143, %broadcast_in_dim3A_146, %broadcast_in_dim3A_147 : vector<16xi1>, vector<16xi32>
      %add3A_149 = arith.addi %add3A_142, %select_n3A_148 : vector<16xi32>
      %le3A_150 = arith.cmpi sle, %gather3A_72, %add3A_108 : vector<16xi32>
      %jit3A_151 = arith.constant 1 : i32
      %jit3A_152 = arith.constant 0 : i32
      %broadcast_in_dim3A_153 = vector.broadcast %jit3A_151 : i32 to vector<16xi32>
      %broadcast_in_dim3A_154 = vector.broadcast %jit3A_152 : i32 to vector<16xi32>
      %select_n3A_155 = arith.select %le3A_150, %broadcast_in_dim3A_153, %broadcast_in_dim3A_154 : vector<16xi1>, vector<16xi32>
      %add3A_156 = arith.addi %add3A_149, %select_n3A_155 : vector<16xi32>
      %le3A_157 = arith.cmpi sle, %gather3A_77, %add3A_108 : vector<16xi32>
      %jit3A_158 = arith.constant 1 : i32
      %jit3A_159 = arith.constant 0 : i32
      %broadcast_in_dim3A_160 = vector.broadcast %jit3A_158 : i32 to vector<16xi32>
      %broadcast_in_dim3A_161 = vector.broadcast %jit3A_159 : i32 to vector<16xi32>
      %select_n3A_162 = arith.select %le3A_157, %broadcast_in_dim3A_160, %broadcast_in_dim3A_161 : vector<16xi1>, vector<16xi32>
      %add3A_163 = arith.addi %add3A_156, %select_n3A_162 : vector<16xi32>
      %broadcast_in_dim3A_164 = vector.shape_cast %add3A_163 : vector<16xi32> to vector<16x1xi32>
      %gather3A_165 = vector.shape_cast %broadcast_in_dim3A_164 : vector<16x1xi32> to vector<16xi32>
      %gather3A_166 = tpu.dynamic_gather %get3A_39[%gather3A_165] in [0] : vector<16xi32>, vector<16xi32> -> vector<16xi32>
      %add3A_167 = arith.constant 1 : i32
      %add3A_168 = vector.broadcast %add3A_167 : i32 to vector<16xi32>
      %add3A_169 = arith.addi %add3A_163, %add3A_168 : vector<16xi32>
      %broadcast_in_dim3A_170 = vector.shape_cast %add3A_169 : vector<16xi32> to vector<16x1xi32>
      %gather3A_171 = vector.shape_cast %broadcast_in_dim3A_170 : vector<16x1xi32> to vector<16xi32>
      %gather3A_172 = tpu.dynamic_gather %get3A_39[%gather3A_171] in [0] : vector<16xi32>, vector<16xi32> -> vector<16xi32>
      %sub3A = arith.subi %add3A_108, %gather3A_166 : vector<16xi32>
      %sub3A_173 = arith.subi %gather3A_172, %gather3A_166 : vector<16xi32>
      %add3A_174 = arith.constant 1 : i32
      %add3A_175 = vector.broadcast %add3A_174 : i32 to vector<16xi32>
      %add3A_176 = arith.addi %sub3A, %add3A_175 : vector<16xi32>
      %sub3A_177 = arith.subi %sub3A_173, %sub3A : vector<16xi32>
      %mul3A_178 = arith.muli %add3A_176, %sub3A_177 : vector<16xi32>
      %convert_element_type3A = arith.sitofp %mul3A_178 : vector<16xi32> to vector<16xf32>
      %mul3A_179 = arith.constant 16 : i32
      %mul3A_180 = arith.muli %scan3A_103, %mul3A_179 : i32
      %swap3A_181 = arith.index_cast %mul3A_180 : i32 to index
      %swap3A_182 = tpu.vector_load %arg8[%swap3A_181] {strides = array<i32>} : memref<272xf32, #tpu.memory_space<vmem>>, vector<16xf32>,
      %swap3A_183 = vector.shape_cast %swap3A_182 : vector<16xf32> to vector<16xf32>
      %swap3A_184 = vector.shape_cast %convert_element_type3A : vector<16xf32> to vector<16xf32>
      tpu.vector_store %arg8[%swap3A_181], %swap3A_184 {strides = array<i32>} : memref<272xf32, #tpu.memory_space<vmem>>, vector<16xf32>,
    }
    %scan3A_82 = arith.constant 16 : i32
    %broadcast_in_dim3A_83 = arith.constant 0.000000e+00 : f32
    %broadcast_in_dim3A_84 = vector.broadcast %broadcast_in_dim3A_83 : f32 to vector<16xf32>
    %broadcast_in_dim3A_85 = arith.constant 0.000000e+00 : f32
    %broadcast_in_dim3A_86 = vector.broadcast %broadcast_in_dim3A_85 : f32 to vector<16xf32>
    %broadcast_in_dim3A_87 = arith.constant 0.000000e+00 : f32
    %broadcast_in_dim3A_88 = vector.broadcast %broadcast_in_dim3A_87 : f32 to vector<16xf32>
    %broadcast_in_dim3A_89 = arith.constant 0.000000e+00 : f32
    %broadcast_in_dim3A_90 = vector.broadcast %broadcast_in_dim3A_89 : f32 to vector<16xf32>
    %scan3A_91 = arith.constant 0 : i32
    %scan3A_92 = arith.constant 4 : i32
    %scan3A_93 = arith.addi %scan3A_91, %scan3A_92 : i32
    %scan3A_94 = arith.constant 1 : i32
    %scan3A_95:4 = scf.for %scan3A_103 = %scan3A_91 to %scan3A_93 step %scan3A_94 iter_args(%scan3A_104 = %broadcast_in_dim3A_84, %scan3A_105 = %broadcast_in_dim3A_86, %scan3A_106 = %broadcast_in_dim3A_88, %scan3A_107 = %broadcast_in_dim3A_90) -> (vector<16xf32>, vector<16xf32>, vector<16xf32>, vector<16xf32>)  : i32 {
      %add3A_108 = arith.constant 1 : i32
      %add3A_109 = arith.addi %scan3A_103, %add3A_108 : i32
      %min3A = arith.constant 3 : i32
      %min3A_110 = arith.minsi %add3A_109, %min3A : i32
      %add3A_111 = arith.constant 1 : i32
      %add3A_112 = arith.addi %scan3A_103, %add3A_111 : i32
      %lt3A = arith.constant 4 : i32
      %lt3A_113 = arith.cmpi slt, %add3A_112, %lt3A : i32
      %convert_element_type3A = arith.extui %lt3A_113 : i1 to i32
      %cond3A = arith.constant 0 : i32
      %cond3A_114 = arith.cmpi ne, %convert_element_type3A, %cond3A : i32
      scf.if %cond3A_114 {
        %mul3A_138 = arith.constant 64 : i32
        %mul3A_139 = arith.muli %min3A_110, %mul3A_138 : i32
        %and3A_140 = arith.constant 1 : i32
        %and3A_141 = arith.andi %min3A_110, %and3A_140 : i32
        %and3A_142 = arith.constant 1 : i32
        %and3A_143 = arith.andi %min3A_110, %and3A_142 : i32
        %dma_start3A_144 = arith.constant 0 : i32
        %dma_start3A_145 = arith.constant 0 : i32
        %dma_start3A_146 = tpu.memref_slice %arg7[%and3A_141, %dma_start3A_144, %dma_start3A_145] : memref<2x64x512xf32, #tpu.memory_space<vmem>> -> memref<1x64x512xf32, #tpu.memory_space<vmem>>
        %dma_start3A_147 = tpu.memref_squeeze %dma_start3A_146 : memref<1x64x512xf32, #tpu.memory_space<vmem>> -> memref<64x512xf32, #tpu.memory_space<vmem>>
        %dma_start3A_148 = tpu.memref_slice %arg6[%mul3A_139] : memref<256xi32, #tpu.memory_space<vmem>> -> memref<64xi32, #tpu.memory_space<vmem>>
        %dma_start3A_149 = arith.constant 0 : i32
        %dma_start3A_150 = arith.constant 0 : i32
        %dma_start3A_151 = tpu.memref_slice %arg4[%dma_start3A_149, %dma_start3A_150] : memref<32000x512xf32, #tpu.memory_space<hbm>> -> memref<32000x512xf32, #tpu.memory_space<hbm>>
        %dma_start3A_152 = tpu.memref_slice %arg11[%and3A_143] : memref<2x!tpu.dma_semaphore, #tpu.memory_space<semaphore_mem>> -> memref<1x!tpu.dma_semaphore, #tpu.memory_space<semaphore_mem>>
        %dma_start3A_153 = tpu.memref_squeeze %dma_start3A_152 : memref<1x!tpu.dma_semaphore, #tpu.memory_space<semaphore_mem>> -> memref<!tpu.dma_semaphore, #tpu.memory_space<semaphore_mem>>
        tpu.enqueue_indirect_dma source(%dma_start3A_151 : memref<32000x512xf32, #tpu.memory_space<hbm>>) target(%dma_start3A_147 : memref<64x512xf32, #tpu.memory_space<vmem>>) offsets(%dma_start3A_148 : memref<64xi32, #tpu.memory_space<vmem>>) semaphore(%dma_start3A_153 : memref<!tpu.dma_semaphore, #tpu.memory_space<semaphore_mem>>)
      } else {
      }
      %mul3A_115 = arith.constant 64 : i32
      %mul3A_116 = arith.muli %scan3A_103, %mul3A_115 : i32
      %and3A = arith.constant 1 : i32
      %and3A_117 = arith.andi %scan3A_103, %and3A : i32
      %and3A_118 = arith.constant 1 : i32
      %and3A_119 = arith.andi %scan3A_103, %and3A_118 : i32
      %dma_wait3A_120 = arith.constant 0 : i32
      %dma_wait3A_121 = arith.constant 0 : i32
      %dma_wait3A_122 = tpu.memref_slice %arg7[%and3A_117, %dma_wait3A_120, %dma_wait3A_121] : memref<2x64x512xf32, #tpu.memory_space<vmem>> -> memref<1x64x512xf32, #tpu.memory_space<vmem>>
      %dma_wait3A_123 = tpu.memref_squeeze %dma_wait3A_122 : memref<1x64x512xf32, #tpu.memory_space<vmem>> -> memref<64x512xf32, #tpu.memory_space<vmem>>
      %dma_wait3A_124 = tpu.memref_slice %arg6[%mul3A_116] : memref<256xi32, #tpu.memory_space<vmem>> -> memref<64xi32, #tpu.memory_space<vmem>>
      %dma_wait3A_125 = arith.constant 0 : i32
      %dma_wait3A_126 = arith.constant 0 : i32
      %dma_wait3A_127 = tpu.memref_slice %arg4[%dma_wait3A_125, %dma_wait3A_126] : memref<32000x512xf32, #tpu.memory_space<hbm>> -> memref<32000x512xf32, #tpu.memory_space<hbm>>
      %dma_wait3A_128 = tpu.memref_slice %arg11[%and3A_119] : memref<2x!tpu.dma_semaphore, #tpu.memory_space<semaphore_mem>> -> memref<1x!tpu.dma_semaphore, #tpu.memory_space<semaphore_mem>>
      %dma_wait3A_129 = tpu.memref_squeeze %dma_wait3A_128 : memref<1x!tpu.dma_semaphore, #tpu.memory_space<semaphore_mem>> -> memref<!tpu.dma_semaphore, #tpu.memory_space<semaphore_mem>>
      tpu.wait_indirect_dma semaphore(%dma_wait3A_129 : memref<!tpu.dma_semaphore, #tpu.memory_space<semaphore_mem>>) src(%dma_wait3A_127 : memref<32000x512xf32, #tpu.memory_space<hbm>>) dst(%dma_wait3A_123 : memref<64x512xf32, #tpu.memory_space<vmem>>)
      %and3A_130 = arith.constant 1 : i32
      %and3A_131 = arith.andi %scan3A_103, %and3A_130 : i32
      %scan3A_132 = arith.constant 0 : i32
      %scan3A_133 = arith.constant 16 : i32
      %scan3A_134 = arith.addi %scan3A_132, %scan3A_133 : i32
      %scan3A_135 = arith.constant 1 : i32
      %scan3A_136:4 = scf.for %scan3A_138 = %scan3A_132 to %scan3A_134 step %scan3A_135 iter_args(%scan3A_139 = %scan3A_104, %scan3A_140 = %scan3A_105, %scan3A_141 = %scan3A_106, %scan3A_142 = %scan3A_107) -> (vector<16xf32>, vector<16xf32>, vector<16xf32>, vector<16xf32>)  : i32 {
        %mul3A_143 = arith.constant 64 : i32
        %mul3A_144 = arith.muli %scan3A_103, %mul3A_143 : i32
        %mul3A_145 = arith.constant 4 : i32
        %mul3A_146 = arith.muli %scan3A_138, %mul3A_145 : i32
        %add3A_147 = arith.addi %mul3A_144, %mul3A_146 : i32
        %get3A_148 = arith.index_cast %add3A_147 : i32 to index
        %get3A_149 = tpu.vector_load %arg8[%get3A_148] {strides = array<i32>} : memref<272xf32, #tpu.memory_space<vmem>>, vector<16xf32>,
        %get3A_150 = vector.shape_cast %get3A_149 : vector<16xf32> to vector<16xf32>
        %mul3A_151 = arith.constant 4 : i32
        %mul3A_152 = arith.muli %scan3A_138, %mul3A_151 : i32
        %add3A_153 = arith.constant 0 : i32
        %add3A_154 = arith.addi %mul3A_152, %add3A_153 : i32
        %get3A_155 = arith.index_cast %and3A_131 : i32 to index
        %get3A_156 = arith.index_cast %add3A_154 : i32 to index
        %get3A_157 = arith.constant 0 : index
        %get3A_158 = tpu.vector_load %arg7[%get3A_155, %get3A_156, %get3A_157] {strides = array<i32>} : memref<2x64x512xf32, #tpu.memory_space<vmem>>, vector<1x1x16xf32>,
        %get3A_159 = vector.shape_cast %get3A_158 : vector<1x1x16xf32> to vector<16xf32>
        %get3A_160 = arith.index_cast %and3A_131 : i32 to index
        %get3A_161 = arith.index_cast %add3A_154 : i32 to index
        %get3A_162 = arith.constant 16 : index
        %get3A_163 = tpu.vector_load %arg7[%get3A_160, %get3A_161, %get3A_162] {strides = array<i32>} : memref<2x64x512xf32, #tpu.memory_space<vmem>>, vector<1x1x16xf32>,
        %get3A_164 = vector.shape_cast %get3A_163 : vector<1x1x16xf32> to vector<16xf32>
        %get3A_165 = arith.index_cast %and3A_131 : i32 to index
        %get3A_166 = arith.index_cast %add3A_154 : i32 to index
        %get3A_167 = arith.constant 32 : index
        %get3A_168 = tpu.vector_load %arg7[%get3A_165, %get3A_166, %get3A_167] {strides = array<i32>} : memref<2x64x512xf32, #tpu.memory_space<vmem>>, vector<1x1x16xf32>,
        %get3A_169 = vector.shape_cast %get3A_168 : vector<1x1x16xf32> to vector<16xf32>
        %get3A_170 = arith.index_cast %and3A_131 : i32 to index
        %get3A_171 = arith.index_cast %add3A_154 : i32 to index
        %get3A_172 = arith.constant 48 : index
        %get3A_173 = tpu.vector_load %arg7[%get3A_170, %get3A_171, %get3A_172] {strides = array<i32>} : memref<2x64x512xf32, #tpu.memory_space<vmem>>, vector<1x1x16xf32>,
        %get3A_174 = vector.shape_cast %get3A_173 : vector<1x1x16xf32> to vector<16xf32>
        %get3A_175 = arith.index_cast %and3A_131 : i32 to index
        %get3A_176 = arith.index_cast %add3A_154 : i32 to index
        %get3A_177 = arith.constant 64 : index
        %get3A_178 = tpu.vector_load %arg7[%get3A_175, %get3A_176, %get3A_177] {strides = array<i32>} : memref<2x64x512xf32, #tpu.memory_space<vmem>>, vector<1x1x16xf32>,
        %get3A_179 = vector.shape_cast %get3A_178 : vector<1x1x16xf32> to vector<16xf32>
        %add3A_180 = arith.addf %get3A_159, %get3A_179 : vector<16xf32>
        %get3A_181 = arith.index_cast %and3A_131 : i32 to index
        %get3A_182 = arith.index_cast %add3A_154 : i32 to index
        %get3A_183 = arith.constant 80 : index
        %get3A_184 = tpu.vector_load %arg7[%get3A_181, %get3A_182, %get3A_183] {strides = array<i32>} : memref<2x64x512xf32, #tpu.memory_space<vmem>>, vector<1x1x16xf32>,
        %get3A_185 = vector.shape_cast %get3A_184 : vector<1x1x16xf32> to vector<16xf32>
        %add3A_186 = arith.addf %get3A_164, %get3A_185 : vector<16xf32>
        %get3A_187 = arith.index_cast %and3A_131 : i32 to index
        %get3A_188 = arith.index_cast %add3A_154 : i32 to index
        %get3A_189 = arith.constant 96 : index
        %get3A_190 = tpu.vector_load %arg7[%get3A_187, %get3A_188, %get3A_189] {strides = array<i32>} : memref<2x64x512xf32, #tpu.memory_space<vmem>>, vector<1x1x16xf32>,
        %get3A_191 = vector.shape_cast %get3A_190 : vector<1x1x16xf32> to vector<16xf32>
        %add3A_192 = arith.addf %get3A_169, %get3A_191 : vector<16xf32>
        %get3A_193 = arith.index_cast %and3A_131 : i32 to index
        %get3A_194 = arith.index_cast %add3A_154 : i32 to index
        %get3A_195 = arith.constant 112 : index
        %get3A_196 = tpu.vector_load %arg7[%get3A_193, %get3A_194, %get3A_195] {strides = array<i32>} : memref<2x64x512xf32, #tpu.memory_space<vmem>>, vector<1x1x16xf32>,
        %get3A_197 = vector.shape_cast %get3A_196 : vector<1x1x16xf32> to vector<16xf32>
        %add3A_198 = arith.addf %get3A_174, %get3A_197 : vector<16xf32>
        %get3A_199 = arith.index_cast %and3A_131 : i32 to index
        %get3A_200 = arith.index_cast %add3A_154 : i32 to index
        %get3A_201 = arith.constant 128 : index
        %get3A_202 = tpu.vector_load %arg7[%get3A_199, %get3A_200, %get3A_201] {strides = array<i32>} : memref<2x64x512xf32, #tpu.memory_space<vmem>>, vector<1x1x16xf32>,
        %get3A_203 = vector.shape_cast %get3A_202 : vector<1x1x16xf32> to vector<16xf32>
        %add3A_204 = arith.addf %add3A_180, %get3A_203 : vector<16xf32>
        %get3A_205 = arith.index_cast %and3A_131 : i32 to index
        %get3A_206 = arith.index_cast %add3A_154 : i32 to index
        %get3A_207 = arith.constant 144 : index
        %get3A_208 = tpu.vector_load %arg7[%get3A_205, %get3A_206, %get3A_207] {strides = array<i32>} : memref<2x64x512xf32, #tpu.memory_space<vmem>>, vector<1x1x16xf32>,
        %get3A_209 = vector.shape_cast %get3A_208 : vector<1x1x16xf32> to vector<16xf32>
        %add3A_210 = arith.addf %add3A_186, %get3A_209 : vector<16xf32>
        %get3A_211 = arith.index_cast %and3A_131 : i32 to index
        %get3A_212 = arith.index_cast %add3A_154 : i32 to index
        %get3A_213 = arith.constant 160 : index
        %get3A_214 = tpu.vector_load %arg7[%get3A_211, %get3A_212, %get3A_213] {strides = array<i32>} : memref<2x64x512xf32, #tpu.memory_space<vmem>>, vector<1x1x16xf32>,
        %get3A_215 = vector.shape_cast %get3A_214 : vector<1x1x16xf32> to vector<16xf32>
        %add3A_216 = arith.addf %add3A_192, %get3A_215 : vector<16xf32>
        %get3A_217 = arith.index_cast %and3A_131 : i32 to index
        %get3A_218 = arith.index_cast %add3A_154 : i32 to index
        %get3A_219 = arith.constant 176 : index
        %get3A_220 = tpu.vector_load %arg7[%get3A_217, %get3A_218, %get3A_219] {strides = array<i32>} : memref<2x64x512xf32, #tpu.memory_space<vmem>>, vector<1x1x16xf32>,
        %get3A_221 = vector.shape_cast %get3A_220 : vector<1x1x16xf32> to vector<16xf32>
        %add3A_222 = arith.addf %add3A_198, %get3A_221 : vector<16xf32>
        %get3A_223 = arith.index_cast %and3A_131 : i32 to index
        %get3A_224 = arith.index_cast %add3A_154 : i32 to index
        %get3A_225 = arith.constant 192 : index
        %get3A_226 = tpu.vector_load %arg7[%get3A_223, %get3A_224, %get3A_225] {strides = array<i32>} : memref<2x64x512xf32, #tpu.memory_space<vmem>>, vector<1x1x16xf32>,
        %get3A_227 = vector.shape_cast %get3A_226 : vector<1x1x16xf32> to vector<16xf32>
        %add3A_228 = arith.addf %add3A_204, %get3A_227 : vector<16xf32>
        %get3A_229 = arith.index_cast %and3A_131 : i32 to index
        %get3A_230 = arith.index_cast %add3A_154 : i32 to index
        %get3A_231 = arith.constant 208 : index
        %get3A_232 = tpu.vector_load %arg7[%get3A_229, %get3A_230, %get3A_231] {strides = array<i32>} : memref<2x64x512xf32, #tpu.memory_space<vmem>>, vector<1x1x16xf32>,
        %get3A_233 = vector.shape_cast %get3A_232 : vector<1x1x16xf32> to vector<16xf32>
        %add3A_234 = arith.addf %add3A_210, %get3A_233 : vector<16xf32>
        %get3A_235 = arith.index_cast %and3A_131 : i32 to index
        %get3A_236 = arith.index_cast %add3A_154 : i32 to index
        %get3A_237 = arith.constant 224 : index
        %get3A_238 = tpu.vector_load %arg7[%get3A_235, %get3A_236, %get3A_237] {strides = array<i32>} : memref<2x64x512xf32, #tpu.memory_space<vmem>>, vector<1x1x16xf32>,
        %get3A_239 = vector.shape_cast %get3A_238 : vector<1x1x16xf32> to vector<16xf32>
        %add3A_240 = arith.addf %add3A_216, %get3A_239 : vector<16xf32>
        %get3A_241 = arith.index_cast %and3A_131 : i32 to index
        %get3A_242 = arith.index_cast %add3A_154 : i32 to index
        %get3A_243 = arith.constant 240 : index
        %get3A_244 = tpu.vector_load %arg7[%get3A_241, %get3A_242, %get3A_243] {strides = array<i32>} : memref<2x64x512xf32, #tpu.memory_space<vmem>>, vector<1x1x16xf32>,
        %get3A_245 = vector.shape_cast %get3A_244 : vector<1x1x16xf32> to vector<16xf32>
        %add3A_246 = arith.addf %add3A_222, %get3A_245 : vector<16xf32>
        %get3A_247 = arith.index_cast %and3A_131 : i32 to index
        %get3A_248 = arith.index_cast %add3A_154 : i32 to index
        %get3A_249 = arith.constant 256 : index
        %get3A_250 = tpu.vector_load %arg7[%get3A_247, %get3A_248, %get3A_249] {strides = array<i32>} : memref<2x64x512xf32, #tpu.memory_space<vmem>>, vector<1x1x16xf32>,
        %get3A_251 = vector.shape_cast %get3A_250 : vector<1x1x16xf32> to vector<16xf32>
        %add3A_252 = arith.addf %add3A_228, %get3A_251 : vector<16xf32>
        %get3A_253 = arith.index_cast %and3A_131 : i32 to index
        %get3A_254 = arith.index_cast %add3A_154 : i32 to index
        %get3A_255 = arith.constant 272 : index
        %get3A_256 = tpu.vector_load %arg7[%get3A_253, %get3A_254, %get3A_255] {strides = array<i32>} : memref<2x64x512xf32, #tpu.memory_space<vmem>>, vector<1x1x16xf32>,
        %get3A_257 = vector.shape_cast %get3A_256 : vector<1x1x16xf32> to vector<16xf32>
        %add3A_258 = arith.addf %add3A_234, %get3A_257 : vector<16xf32>
        %get3A_259 = arith.index_cast %and3A_131 : i32 to index
        %get3A_260 = arith.index_cast %add3A_154 : i32 to index
        %get3A_261 = arith.constant 288 : index
        %get3A_262 = tpu.vector_load %arg7[%get3A_259, %get3A_260, %get3A_261] {strides = array<i32>} : memref<2x64x512xf32, #tpu.memory_space<vmem>>, vector<1x1x16xf32>,
        %get3A_263 = vector.shape_cast %get3A_262 : vector<1x1x16xf32> to vector<16xf32>
        %add3A_264 = arith.addf %add3A_240, %get3A_263 : vector<16xf32>
        %get3A_265 = arith.index_cast %and3A_131 : i32 to index
        %get3A_266 = arith.index_cast %add3A_154 : i32 to index
        %get3A_267 = arith.constant 304 : index
        %get3A_268 = tpu.vector_load %arg7[%get3A_265, %get3A_266, %get3A_267] {strides = array<i32>} : memref<2x64x512xf32, #tpu.memory_space<vmem>>, vector<1x1x16xf32>,
        %get3A_269 = vector.shape_cast %get3A_268 : vector<1x1x16xf32> to vector<16xf32>
        %add3A_270 = arith.addf %add3A_246, %get3A_269 : vector<16xf32>
        %get3A_271 = arith.index_cast %and3A_131 : i32 to index
        %get3A_272 = arith.index_cast %add3A_154 : i32 to index
        %get3A_273 = arith.constant 320 : index
        %get3A_274 = tpu.vector_load %arg7[%get3A_271, %get3A_272, %get3A_273] {strides = array<i32>} : memref<2x64x512xf32, #tpu.memory_space<vmem>>, vector<1x1x16xf32>,
        %get3A_275 = vector.shape_cast %get3A_274 : vector<1x1x16xf32> to vector<16xf32>
        %add3A_276 = arith.addf %add3A_252, %get3A_275 : vector<16xf32>
        %get3A_277 = arith.index_cast %and3A_131 : i32 to index
        %get3A_278 = arith.index_cast %add3A_154 : i32 to index
        %get3A_279 = arith.constant 336 : index
        %get3A_280 = tpu.vector_load %arg7[%get3A_277, %get3A_278, %get3A_279] {strides = array<i32>} : memref<2x64x512xf32, #tpu.memory_space<vmem>>, vector<1x1x16xf32>,
        %get3A_281 = vector.shape_cast %get3A_280 : vector<1x1x16xf32> to vector<16xf32>
        %add3A_282 = arith.addf %add3A_258, %get3A_281 : vector<16xf32>
        %get3A_283 = arith.index_cast %and3A_131 : i32 to index
        %get3A_284 = arith.index_cast %add3A_154 : i32 to index
        %get3A_285 = arith.constant 352 : index
        %get3A_286 = tpu.vector_load %arg7[%get3A_283, %get3A_284, %get3A_285] {strides = array<i32>} : memref<2x64x512xf32, #tpu.memory_space<vmem>>, vector<1x1x16xf32>,
        %get3A_287 = vector.shape_cast %get3A_286 : vector<1x1x16xf32> to vector<16xf32>
        %add3A_288 = arith.addf %add3A_264, %get3A_287 : vector<16xf32>
        %get3A_289 = arith.index_cast %and3A_131 : i32 to index
        %get3A_290 = arith.index_cast %add3A_154 : i32 to index
        %get3A_291 = arith.constant 368 : index
        %get3A_292 = tpu.vector_load %arg7[%get3A_289, %get3A_290, %get3A_291] {strides = array<i32>} : memref<2x64x512xf32, #tpu.memory_space<vmem>>, vector<1x1x16xf32>,
        %get3A_293 = vector.shape_cast %get3A_292 : vector<1x1x16xf32> to vector<16xf32>
        %add3A_294 = arith.addf %add3A_270, %get3A_293 : vector<16xf32>
        %get3A_295 = arith.index_cast %and3A_131 : i32 to index
        %get3A_296 = arith.index_cast %add3A_154 : i32 to index
        %get3A_297 = arith.constant 384 : index
        %get3A_298 = tpu.vector_load %arg7[%get3A_295, %get3A_296, %get3A_297] {strides = array<i32>} : memref<2x64x512xf32, #tpu.memory_space<vmem>>, vector<1x1x16xf32>,
        %get3A_299 = vector.shape_cast %get3A_298 : vector<1x1x16xf32> to vector<16xf32>
        %add3A_300 = arith.addf %add3A_276, %get3A_299 : vector<16xf32>
        %get3A_301 = arith.index_cast %and3A_131 : i32 to index
        %get3A_302 = arith.index_cast %add3A_154 : i32 to index
        %get3A_303 = arith.constant 400 : index
        %get3A_304 = tpu.vector_load %arg7[%get3A_301, %get3A_302, %get3A_303] {strides = array<i32>} : memref<2x64x512xf32, #tpu.memory_space<vmem>>, vector<1x1x16xf32>,
        %get3A_305 = vector.shape_cast %get3A_304 : vector<1x1x16xf32> to vector<16xf32>
        %add3A_306 = arith.addf %add3A_282, %get3A_305 : vector<16xf32>
        %get3A_307 = arith.index_cast %and3A_131 : i32 to index
        %get3A_308 = arith.index_cast %add3A_154 : i32 to index
        %get3A_309 = arith.constant 416 : index
        %get3A_310 = tpu.vector_load %arg7[%get3A_307, %get3A_308, %get3A_309] {strides = array<i32>} : memref<2x64x512xf32, #tpu.memory_space<vmem>>, vector<1x1x16xf32>,
        %get3A_311 = vector.shape_cast %get3A_310 : vector<1x1x16xf32> to vector<16xf32>
        %add3A_312 = arith.addf %add3A_288, %get3A_311 : vector<16xf32>
        %get3A_313 = arith.index_cast %and3A_131 : i32 to index
        %get3A_314 = arith.index_cast %add3A_154 : i32 to index
        %get3A_315 = arith.constant 432 : index
        %get3A_316 = tpu.vector_load %arg7[%get3A_313, %get3A_314, %get3A_315] {strides = array<i32>} : memref<2x64x512xf32, #tpu.memory_space<vmem>>, vector<1x1x16xf32>,
        %get3A_317 = vector.shape_cast %get3A_316 : vector<1x1x16xf32> to vector<16xf32>
        %add3A_318 = arith.addf %add3A_294, %get3A_317 : vector<16xf32>
        %get3A_319 = arith.index_cast %and3A_131 : i32 to index
        %get3A_320 = arith.index_cast %add3A_154 : i32 to index
        %get3A_321 = arith.constant 448 : index
        %get3A_322 = tpu.vector_load %arg7[%get3A_319, %get3A_320, %get3A_321] {strides = array<i32>} : memref<2x64x512xf32, #tpu.memory_space<vmem>>, vector<1x1x16xf32>,
        %get3A_323 = vector.shape_cast %get3A_322 : vector<1x1x16xf32> to vector<16xf32>
        %add3A_324 = arith.addf %add3A_300, %get3A_323 : vector<16xf32>
        %get3A_325 = arith.index_cast %and3A_131 : i32 to index
        %get3A_326 = arith.index_cast %add3A_154 : i32 to index
        %get3A_327 = arith.constant 464 : index
        %get3A_328 = tpu.vector_load %arg7[%get3A_325, %get3A_326, %get3A_327] {strides = array<i32>} : memref<2x64x512xf32, #tpu.memory_space<vmem>>, vector<1x1x16xf32>,
        %get3A_329 = vector.shape_cast %get3A_328 : vector<1x1x16xf32> to vector<16xf32>
        %add3A_330 = arith.addf %add3A_306, %get3A_329 : vector<16xf32>
        %get3A_331 = arith.index_cast %and3A_131 : i32 to index
        %get3A_332 = arith.index_cast %add3A_154 : i32 to index
        %get3A_333 = arith.constant 480 : index
        %get3A_334 = tpu.vector_load %arg7[%get3A_331, %get3A_332, %get3A_333] {strides = array<i32>} : memref<2x64x512xf32, #tpu.memory_space<vmem>>, vector<1x1x16xf32>,
        %get3A_335 = vector.shape_cast %get3A_334 : vector<1x1x16xf32> to vector<16xf32>
        %add3A_336 = arith.addf %add3A_312, %get3A_335 : vector<16xf32>
        %get3A_337 = arith.index_cast %and3A_131 : i32 to index
        %get3A_338 = arith.index_cast %add3A_154 : i32 to index
        %get3A_339 = arith.constant 496 : index
        %get3A_340 = tpu.vector_load %arg7[%get3A_337, %get3A_338, %get3A_339] {strides = array<i32>} : memref<2x64x512xf32, #tpu.memory_space<vmem>>, vector<1x1x16xf32>,
        %get3A_341 = vector.shape_cast %get3A_340 : vector<1x1x16xf32> to vector<16xf32>
        %add3A_342 = arith.addf %add3A_318, %get3A_341 : vector<16xf32>
        %add3A_343 = arith.addf %add3A_324, %add3A_330 : vector<16xf32>
        %add3A_344 = arith.addf %add3A_336, %add3A_342 : vector<16xf32>
        %add3A_345 = arith.addf %add3A_343, %add3A_344 : vector<16xf32>
        %broadcast_in_dim3A_346 = arith.constant 0 : i32
        %broadcast_in_dim3A_347 = vector.broadcast %broadcast_in_dim3A_346 : i32 to vector<16xi32>
        %broadcast_in_dim3A_348 = vector.shape_cast %broadcast_in_dim3A_347 : vector<16xi32> to vector<16x1xi32>
        %gather3A_349 = vector.shape_cast %broadcast_in_dim3A_348 : vector<16x1xi32> to vector<16xi32>
        %gather3A_350 = tpu.dynamic_gather %get3A_150[%gather3A_349] in [0] : vector<16xf32>, vector<16xi32> -> vector<16xf32>
        %mul3A_351 = arith.mulf %gather3A_350, %add3A_345 : vector<16xf32>
        %add3A_352 = arith.addf %scan3A_139, %mul3A_351 : vector<16xf32>
        %mul3A_353 = arith.constant 4 : i32
        %mul3A_354 = arith.muli %scan3A_138, %mul3A_353 : i32
        %add3A_355 = arith.constant 1 : i32
        %add3A_356 = arith.addi %mul3A_354, %add3A_355 : i32
        %get3A_357 = arith.index_cast %and3A_131 : i32 to index
        %get3A_358 = arith.index_cast %add3A_356 : i32 to index
        %get3A_359 = arith.constant 0 : index
        %get3A_360 = tpu.vector_load %arg7[%get3A_357, %get3A_358, %get3A_359] {strides = array<i32>} : memref<2x64x512xf32, #tpu.memory_space<vmem>>, vector<1x1x16xf32>,
        %get3A_361 = vector.shape_cast %get3A_360 : vector<1x1x16xf32> to vector<16xf32>
        %get3A_362 = arith.index_cast %and3A_131 : i32 to index
        %get3A_363 = arith.index_cast %add3A_356 : i32 to index
        %get3A_364 = arith.constant 16 : index
        %get3A_365 = tpu.vector_load %arg7[%get3A_362, %get3A_363, %get3A_364] {strides = array<i32>} : memref<2x64x512xf32, #tpu.memory_space<vmem>>, vector<1x1x16xf32>,
        %get3A_366 = vector.shape_cast %get3A_365 : vector<1x1x16xf32> to vector<16xf32>
        %get3A_367 = arith.index_cast %and3A_131 : i32 to index
        %get3A_368 = arith.index_cast %add3A_356 : i32 to index
        %get3A_369 = arith.constant 32 : index
        %get3A_370 = tpu.vector_load %arg7[%get3A_367, %get3A_368, %get3A_369] {strides = array<i32>} : memref<2x64x512xf32, #tpu.memory_space<vmem>>, vector<1x1x16xf32>,
        %get3A_371 = vector.shape_cast %get3A_370 : vector<1x1x16xf32> to vector<16xf32>
        %get3A_372 = arith.index_cast %and3A_131 : i32 to index
        %get3A_373 = arith.index_cast %add3A_356 : i32 to index
        %get3A_374 = arith.constant 48 : index
        %get3A_375 = tpu.vector_load %arg7[%get3A_372, %get3A_373, %get3A_374] {strides = array<i32>} : memref<2x64x512xf32, #tpu.memory_space<vmem>>, vector<1x1x16xf32>,
        %get3A_376 = vector.shape_cast %get3A_375 : vector<1x1x16xf32> to vector<16xf32>
        %get3A_377 = arith.index_cast %and3A_131 : i32 to index
        %get3A_378 = arith.index_cast %add3A_356 : i32 to index
        %get3A_379 = arith.constant 64 : index
        %get3A_380 = tpu.vector_load %arg7[%get3A_377, %get3A_378, %get3A_379] {strides = array<i32>} : memref<2x64x512xf32, #tpu.memory_space<vmem>>, vector<1x1x16xf32>,
        %get3A_381 = vector.shape_cast %get3A_380 : vector<1x1x16xf32> to vector<16xf32>
        %add3A_382 = arith.addf %get3A_361, %get3A_381 : vector<16xf32>
        %get3A_383 = arith.index_cast %and3A_131 : i32 to index
        %get3A_384 = arith.index_cast %add3A_356 : i32 to index
        %get3A_385 = arith.constant 80 : index
        %get3A_386 = tpu.vector_load %arg7[%get3A_383, %get3A_384, %get3A_385] {strides = array<i32>} : memref<2x64x512xf32, #tpu.memory_space<vmem>>, vector<1x1x16xf32>,
        %get3A_387 = vector.shape_cast %get3A_386 : vector<1x1x16xf32> to vector<16xf32>
        %add3A_388 = arith.addf %get3A_366, %get3A_387 : vector<16xf32>
        %get3A_389 = arith.index_cast %and3A_131 : i32 to index
        %get3A_390 = arith.index_cast %add3A_356 : i32 to index
        %get3A_391 = arith.constant 96 : index
        %get3A_392 = tpu.vector_load %arg7[%get3A_389, %get3A_390, %get3A_391] {strides = array<i32>} : memref<2x64x512xf32, #tpu.memory_space<vmem>>, vector<1x1x16xf32>,
        %get3A_393 = vector.shape_cast %get3A_392 : vector<1x1x16xf32> to vector<16xf32>
        %add3A_394 = arith.addf %get3A_371, %get3A_393 : vector<16xf32>
        %get3A_395 = arith.index_cast %and3A_131 : i32 to index
        %get3A_396 = arith.index_cast %add3A_356 : i32 to index
        %get3A_397 = arith.constant 112 : index
        %get3A_398 = tpu.vector_load %arg7[%get3A_395, %get3A_396, %get3A_397] {strides = array<i32>} : memref<2x64x512xf32, #tpu.memory_space<vmem>>, vector<1x1x16xf32>,
        %get3A_399 = vector.shape_cast %get3A_398 : vector<1x1x16xf32> to vector<16xf32>
        %add3A_400 = arith.addf %get3A_376, %get3A_399 : vector<16xf32>
        %get3A_401 = arith.index_cast %and3A_131 : i32 to index
        %get3A_402 = arith.index_cast %add3A_356 : i32 to index
        %get3A_403 = arith.constant 128 : index
        %get3A_404 = tpu.vector_load %arg7[%get3A_401, %get3A_402, %get3A_403] {strides = array<i32>} : memref<2x64x512xf32, #tpu.memory_space<vmem>>, vector<1x1x16xf32>,
        %get3A_405 = vector.shape_cast %get3A_404 : vector<1x1x16xf32> to vector<16xf32>
        %add3A_406 = arith.addf %add3A_382, %get3A_405 : vector<16xf32>
        %get3A_407 = arith.index_cast %and3A_131 : i32 to index
        %get3A_408 = arith.index_cast %add3A_356 : i32 to index
        %get3A_409 = arith.constant 144 : index
        %get3A_410 = tpu.vector_load %arg7[%get3A_407, %get3A_408, %get3A_409] {strides = array<i32>} : memref<2x64x512xf32, #tpu.memory_space<vmem>>, vector<1x1x16xf32>,
        %get3A_411 = vector.shape_cast %get3A_410 : vector<1x1x16xf32> to vector<16xf32>
        %add3A_412 = arith.addf %add3A_388, %get3A_411 : vector<16xf32>
        %get3A_413 = arith.index_cast %and3A_131 : i32 to index
        %get3A_414 = arith.index_cast %add3A_356 : i32 to index
        %get3A_415 = arith.constant 160 : index
        %get3A_416 = tpu.vector_load %arg7[%get3A_413, %get3A_414, %get3A_415] {strides = array<i32>} : memref<2x64x512xf32, #tpu.memory_space<vmem>>, vector<1x1x16xf32>,
        %get3A_417 = vector.shape_cast %get3A_416 : vector<1x1x16xf32> to vector<16xf32>
        %add3A_418 = arith.addf %add3A_394, %get3A_417 : vector<16xf32>
        %get3A_419 = arith.index_cast %and3A_131 : i32 to index
        %get3A_420 = arith.index_cast %add3A_356 : i32 to index
        %get3A_421 = arith.constant 176 : index
        %get3A_422 = tpu.vector_load %arg7[%get3A_419, %get3A_420, %get3A_421] {strides = array<i32>} : memref<2x64x512xf32, #tpu.memory_space<vmem>>, vector<1x1x16xf32>,
        %get3A_423 = vector.shape_cast %get3A_422 : vector<1x1x16xf32> to vector<16xf32>
        %add3A_424 = arith.addf %add3A_400, %get3A_423 : vector<16xf32>
        %get3A_425 = arith.index_cast %and3A_131 : i32 to index
        %get3A_426 = arith.index_cast %add3A_356 : i32 to index
        %get3A_427 = arith.constant 192 : index
        %get3A_428 = tpu.vector_load %arg7[%get3A_425, %get3A_426, %get3A_427] {strides = array<i32>} : memref<2x64x512xf32, #tpu.memory_space<vmem>>, vector<1x1x16xf32>,
        %get3A_429 = vector.shape_cast %get3A_428 : vector<1x1x16xf32> to vector<16xf32>
        %add3A_430 = arith.addf %add3A_406, %get3A_429 : vector<16xf32>
        %get3A_431 = arith.index_cast %and3A_131 : i32 to index
        %get3A_432 = arith.index_cast %add3A_356 : i32 to index
        %get3A_433 = arith.constant 208 : index
        %get3A_434 = tpu.vector_load %arg7[%get3A_431, %get3A_432, %get3A_433] {strides = array<i32>} : memref<2x64x512xf32, #tpu.memory_space<vmem>>, vector<1x1x16xf32>,
        %get3A_435 = vector.shape_cast %get3A_434 : vector<1x1x16xf32> to vector<16xf32>
        %add3A_436 = arith.addf %add3A_412, %get3A_435 : vector<16xf32>
        %get3A_437 = arith.index_cast %and3A_131 : i32 to index
        %get3A_438 = arith.index_cast %add3A_356 : i32 to index
        %get3A_439 = arith.constant 224 : index
        %get3A_440 = tpu.vector_load %arg7[%get3A_437, %get3A_438, %get3A_439] {strides = array<i32>} : memref<2x64x512xf32, #tpu.memory_space<vmem>>, vector<1x1x16xf32>,
        %get3A_441 = vector.shape_cast %get3A_440 : vector<1x1x16xf32> to vector<16xf32>
        %add3A_442 = arith.addf %add3A_418, %get3A_441 : vector<16xf32>
        %get3A_443 = arith.index_cast %and3A_131 : i32 to index
        %get3A_444 = arith.index_cast %add3A_356 : i32 to index
        %get3A_445 = arith.constant 240 : index
        %get3A_446 = tpu.vector_load %arg7[%get3A_443, %get3A_444, %get3A_445] {strides = array<i32>} : memref<2x64x512xf32, #tpu.memory_space<vmem>>, vector<1x1x16xf32>,
        %get3A_447 = vector.shape_cast %get3A_446 : vector<1x1x16xf32> to vector<16xf32>
        %add3A_448 = arith.addf %add3A_424, %get3A_447 : vector<16xf32>
        %get3A_449 = arith.index_cast %and3A_131 : i32 to index
        %get3A_450 = arith.index_cast %add3A_356 : i32 to index
        %get3A_451 = arith.constant 256 : index
        %get3A_452 = tpu.vector_load %arg7[%get3A_449, %get3A_450, %get3A_451] {strides = array<i32>} : memref<2x64x512xf32, #tpu.memory_space<vmem>>, vector<1x1x16xf32>,
        %get3A_453 = vector.shape_cast %get3A_452 : vector<1x1x16xf32> to vector<16xf32>
        %add3A_454 = arith.addf %add3A_430, %get3A_453 : vector<16xf32>
        %get3A_455 = arith.index_cast %and3A_131 : i32 to index
        %get3A_456 = arith.index_cast %add3A_356 : i32 to index
        %get3A_457 = arith.constant 272 : index
        %get3A_458 = tpu.vector_load %arg7[%get3A_455, %get3A_456, %get3A_457] {strides = array<i32>} : memref<2x64x512xf32, #tpu.memory_space<vmem>>, vector<1x1x16xf32>,
        %get3A_459 = vector.shape_cast %get3A_458 : vector<1x1x16xf32> to vector<16xf32>
        %add3A_460 = arith.addf %add3A_436, %get3A_459 : vector<16xf32>
        %get3A_461 = arith.index_cast %and3A_131 : i32 to index
        %get3A_462 = arith.index_cast %add3A_356 : i32 to index
        %get3A_463 = arith.constant 288 : index
        %get3A_464 = tpu.vector_load %arg7[%get3A_461, %get3A_462, %get3A_463] {strides = array<i32>} : memref<2x64x512xf32, #tpu.memory_space<vmem>>, vector<1x1x16xf32>,
        %get3A_465 = vector.shape_cast %get3A_464 : vector<1x1x16xf32> to vector<16xf32>
        %add3A_466 = arith.addf %add3A_442, %get3A_465 : vector<16xf32>
        %get3A_467 = arith.index_cast %and3A_131 : i32 to index
        %get3A_468 = arith.index_cast %add3A_356 : i32 to index
        %get3A_469 = arith.constant 304 : index
        %get3A_470 = tpu.vector_load %arg7[%get3A_467, %get3A_468, %get3A_469] {strides = array<i32>} : memref<2x64x512xf32, #tpu.memory_space<vmem>>, vector<1x1x16xf32>,
        %get3A_471 = vector.shape_cast %get3A_470 : vector<1x1x16xf32> to vector<16xf32>
        %add3A_472 = arith.addf %add3A_448, %get3A_471 : vector<16xf32>
        %get3A_473 = arith.index_cast %and3A_131 : i32 to index
        %get3A_474 = arith.index_cast %add3A_356 : i32 to index
        %get3A_475 = arith.constant 320 : index
        %get3A_476 = tpu.vector_load %arg7[%get3A_473, %get3A_474, %get3A_475] {strides = array<i32>} : memref<2x64x512xf32, #tpu.memory_space<vmem>>, vector<1x1x16xf32>,
        %get3A_477 = vector.shape_cast %get3A_476 : vector<1x1x16xf32> to vector<16xf32>
        %add3A_478 = arith.addf %add3A_454, %get3A_477 : vector<16xf32>
        %get3A_479 = arith.index_cast %and3A_131 : i32 to index
        %get3A_480 = arith.index_cast %add3A_356 : i32 to index
        %get3A_481 = arith.constant 336 : index
        %get3A_482 = tpu.vector_load %arg7[%get3A_479, %get3A_480, %get3A_481] {strides = array<i32>} : memref<2x64x512xf32, #tpu.memory_space<vmem>>, vector<1x1x16xf32>,
        %get3A_483 = vector.shape_cast %get3A_482 : vector<1x1x16xf32> to vector<16xf32>
        %add3A_484 = arith.addf %add3A_460, %get3A_483 : vector<16xf32>
        %get3A_485 = arith.index_cast %and3A_131 : i32 to index
        %get3A_486 = arith.index_cast %add3A_356 : i32 to index
        %get3A_487 = arith.constant 352 : index
        %get3A_488 = tpu.vector_load %arg7[%get3A_485, %get3A_486, %get3A_487] {strides = array<i32>} : memref<2x64x512xf32, #tpu.memory_space<vmem>>, vector<1x1x16xf32>,
        %get3A_489 = vector.shape_cast %get3A_488 : vector<1x1x16xf32> to vector<16xf32>
        %add3A_490 = arith.addf %add3A_466, %get3A_489 : vector<16xf32>
        %get3A_491 = arith.index_cast %and3A_131 : i32 to index
        %get3A_492 = arith.index_cast %add3A_356 : i32 to index
        %get3A_493 = arith.constant 368 : index
        %get3A_494 = tpu.vector_load %arg7[%get3A_491, %get3A_492, %get3A_493] {strides = array<i32>} : memref<2x64x512xf32, #tpu.memory_space<vmem>>, vector<1x1x16xf32>,
        %get3A_495 = vector.shape_cast %get3A_494 : vector<1x1x16xf32> to vector<16xf32>
        %add3A_496 = arith.addf %add3A_472, %get3A_495 : vector<16xf32>
        %get3A_497 = arith.index_cast %and3A_131 : i32 to index
        %get3A_498 = arith.index_cast %add3A_356 : i32 to index
        %get3A_499 = arith.constant 384 : index
        %get3A_500 = tpu.vector_load %arg7[%get3A_497, %get3A_498, %get3A_499] {strides = array<i32>} : memref<2x64x512xf32, #tpu.memory_space<vmem>>, vector<1x1x16xf32>,
        %get3A_501 = vector.shape_cast %get3A_500 : vector<1x1x16xf32> to vector<16xf32>
        %add3A_502 = arith.addf %add3A_478, %get3A_501 : vector<16xf32>
        %get3A_503 = arith.index_cast %and3A_131 : i32 to index
        %get3A_504 = arith.index_cast %add3A_356 : i32 to index
        %get3A_505 = arith.constant 400 : index
        %get3A_506 = tpu.vector_load %arg7[%get3A_503, %get3A_504, %get3A_505] {strides = array<i32>} : memref<2x64x512xf32, #tpu.memory_space<vmem>>, vector<1x1x16xf32>,
        %get3A_507 = vector.shape_cast %get3A_506 : vector<1x1x16xf32> to vector<16xf32>
        %add3A_508 = arith.addf %add3A_484, %get3A_507 : vector<16xf32>
        %get3A_509 = arith.index_cast %and3A_131 : i32 to index
        %get3A_510 = arith.index_cast %add3A_356 : i32 to index
        %get3A_511 = arith.constant 416 : index
        %get3A_512 = tpu.vector_load %arg7[%get3A_509, %get3A_510, %get3A_511] {strides = array<i32>} : memref<2x64x512xf32, #tpu.memory_space<vmem>>, vector<1x1x16xf32>,
        %get3A_513 = vector.shape_cast %get3A_512 : vector<1x1x16xf32> to vector<16xf32>
        %add3A_514 = arith.addf %add3A_490, %get3A_513 : vector<16xf32>
        %get3A_515 = arith.index_cast %and3A_131 : i32 to index
        %get3A_516 = arith.index_cast %add3A_356 : i32 to index
        %get3A_517 = arith.constant 432 : index
        %get3A_518 = tpu.vector_load %arg7[%get3A_515, %get3A_516, %get3A_517] {strides = array<i32>} : memref<2x64x512xf32, #tpu.memory_space<vmem>>, vector<1x1x16xf32>,
        %get3A_519 = vector.shape_cast %get3A_518 : vector<1x1x16xf32> to vector<16xf32>
        %add3A_520 = arith.addf %add3A_496, %get3A_519 : vector<16xf32>
        %get3A_521 = arith.index_cast %and3A_131 : i32 to index
        %get3A_522 = arith.index_cast %add3A_356 : i32 to index
        %get3A_523 = arith.constant 448 : index
        %get3A_524 = tpu.vector_load %arg7[%get3A_521, %get3A_522, %get3A_523] {strides = array<i32>} : memref<2x64x512xf32, #tpu.memory_space<vmem>>, vector<1x1x16xf32>,
        %get3A_525 = vector.shape_cast %get3A_524 : vector<1x1x16xf32> to vector<16xf32>
        %add3A_526 = arith.addf %add3A_502, %get3A_525 : vector<16xf32>
        %get3A_527 = arith.index_cast %and3A_131 : i32 to index
        %get3A_528 = arith.index_cast %add3A_356 : i32 to index
        %get3A_529 = arith.constant 464 : index
        %get3A_530 = tpu.vector_load %arg7[%get3A_527, %get3A_528, %get3A_529] {strides = array<i32>} : memref<2x64x512xf32, #tpu.memory_space<vmem>>, vector<1x1x16xf32>,
        %get3A_531 = vector.shape_cast %get3A_530 : vector<1x1x16xf32> to vector<16xf32>
        %add3A_532 = arith.addf %add3A_508, %get3A_531 : vector<16xf32>
        %get3A_533 = arith.index_cast %and3A_131 : i32 to index
        %get3A_534 = arith.index_cast %add3A_356 : i32 to index
        %get3A_535 = arith.constant 480 : index
        %get3A_536 = tpu.vector_load %arg7[%get3A_533, %get3A_534, %get3A_535] {strides = array<i32>} : memref<2x64x512xf32, #tpu.memory_space<vmem>>, vector<1x1x16xf32>,
        %get3A_537 = vector.shape_cast %get3A_536 : vector<1x1x16xf32> to vector<16xf32>
        %add3A_538 = arith.addf %add3A_514, %get3A_537 : vector<16xf32>
        %get3A_539 = arith.index_cast %and3A_131 : i32 to index
        %get3A_540 = arith.index_cast %add3A_356 : i32 to index
        %get3A_541 = arith.constant 496 : index
        %get3A_542 = tpu.vector_load %arg7[%get3A_539, %get3A_540, %get3A_541] {strides = array<i32>} : memref<2x64x512xf32, #tpu.memory_space<vmem>>, vector<1x1x16xf32>,
        %get3A_543 = vector.shape_cast %get3A_542 : vector<1x1x16xf32> to vector<16xf32>
        %add3A_544 = arith.addf %add3A_520, %get3A_543 : vector<16xf32>
        %add3A_545 = arith.addf %add3A_526, %add3A_532 : vector<16xf32>
        %add3A_546 = arith.addf %add3A_538, %add3A_544 : vector<16xf32>
        %add3A_547 = arith.addf %add3A_545, %add3A_546 : vector<16xf32>
        %broadcast_in_dim3A_548 = arith.constant 1 : i32
        %broadcast_in_dim3A_549 = vector.broadcast %broadcast_in_dim3A_548 : i32 to vector<16xi32>
        %broadcast_in_dim3A_550 = vector.shape_cast %broadcast_in_dim3A_549 : vector<16xi32> to vector<16x1xi32>
        %gather3A_551 = vector.shape_cast %broadcast_in_dim3A_550 : vector<16x1xi32> to vector<16xi32>
        %gather3A_552 = tpu.dynamic_gather %get3A_150[%gather3A_551] in [0] : vector<16xf32>, vector<16xi32> -> vector<16xf32>
        %mul3A_553 = arith.mulf %gather3A_552, %add3A_547 : vector<16xf32>
        %add3A_554 = arith.addf %scan3A_140, %mul3A_553 : vector<16xf32>
        %mul3A_555 = arith.constant 4 : i32
        %mul3A_556 = arith.muli %scan3A_138, %mul3A_555 : i32
        %add3A_557 = arith.constant 2 : i32
        %add3A_558 = arith.addi %mul3A_556, %add3A_557 : i32
        %get3A_559 = arith.index_cast %and3A_131 : i32 to index
        %get3A_560 = arith.index_cast %add3A_558 : i32 to index
        %get3A_561 = arith.constant 0 : index
        %get3A_562 = tpu.vector_load %arg7[%get3A_559, %get3A_560, %get3A_561] {strides = array<i32>} : memref<2x64x512xf32, #tpu.memory_space<vmem>>, vector<1x1x16xf32>,
        %get3A_563 = vector.shape_cast %get3A_562 : vector<1x1x16xf32> to vector<16xf32>
        %get3A_564 = arith.index_cast %and3A_131 : i32 to index
        %get3A_565 = arith.index_cast %add3A_558 : i32 to index
        %get3A_566 = arith.constant 16 : index
        %get3A_567 = tpu.vector_load %arg7[%get3A_564, %get3A_565, %get3A_566] {strides = array<i32>} : memref<2x64x512xf32, #tpu.memory_space<vmem>>, vector<1x1x16xf32>,
        %get3A_568 = vector.shape_cast %get3A_567 : vector<1x1x16xf32> to vector<16xf32>
        %get3A_569 = arith.index_cast %and3A_131 : i32 to index
        %get3A_570 = arith.index_cast %add3A_558 : i32 to index
        %get3A_571 = arith.constant 32 : index
        %get3A_572 = tpu.vector_load %arg7[%get3A_569, %get3A_570, %get3A_571] {strides = array<i32>} : memref<2x64x512xf32, #tpu.memory_space<vmem>>, vector<1x1x16xf32>,
        %get3A_573 = vector.shape_cast %get3A_572 : vector<1x1x16xf32> to vector<16xf32>
        %get3A_574 = arith.index_cast %and3A_131 : i32 to index
        %get3A_575 = arith.index_cast %add3A_558 : i32 to index
        %get3A_576 = arith.constant 48 : index
        %get3A_577 = tpu.vector_load %arg7[%get3A_574, %get3A_575, %get3A_576] {strides = array<i32>} : memref<2x64x512xf32, #tpu.memory_space<vmem>>, vector<1x1x16xf32>,
        %get3A_578 = vector.shape_cast %get3A_577 : vector<1x1x16xf32> to vector<16xf32>
        %get3A_579 = arith.index_cast %and3A_131 : i32 to index
        %get3A_580 = arith.index_cast %add3A_558 : i32 to index
        %get3A_581 = arith.constant 64 : index
        %get3A_582 = tpu.vector_load %arg7[%get3A_579, %get3A_580, %get3A_581] {strides = array<i32>} : memref<2x64x512xf32, #tpu.memory_space<vmem>>, vector<1x1x16xf32>,
        %get3A_583 = vector.shape_cast %get3A_582 : vector<1x1x16xf32> to vector<16xf32>
        %add3A_584 = arith.addf %get3A_563, %get3A_583 : vector<16xf32>
        %get3A_585 = arith.index_cast %and3A_131 : i32 to index
        %get3A_586 = arith.index_cast %add3A_558 : i32 to index
        %get3A_587 = arith.constant 80 : index
        %get3A_588 = tpu.vector_load %arg7[%get3A_585, %get3A_586, %get3A_587] {strides = array<i32>} : memref<2x64x512xf32, #tpu.memory_space<vmem>>, vector<1x1x16xf32>,
        %get3A_589 = vector.shape_cast %get3A_588 : vector<1x1x16xf32> to vector<16xf32>
        %add3A_590 = arith.addf %get3A_568, %get3A_589 : vector<16xf32>
        %get3A_591 = arith.index_cast %and3A_131 : i32 to index
        %get3A_592 = arith.index_cast %add3A_558 : i32 to index
        %get3A_593 = arith.constant 96 : index
        %get3A_594 = tpu.vector_load %arg7[%get3A_591, %get3A_592, %get3A_593] {strides = array<i32>} : memref<2x64x512xf32, #tpu.memory_space<vmem>>, vector<1x1x16xf32>,
        %get3A_595 = vector.shape_cast %get3A_594 : vector<1x1x16xf32> to vector<16xf32>
        %add3A_596 = arith.addf %get3A_573, %get3A_595 : vector<16xf32>
        %get3A_597 = arith.index_cast %and3A_131 : i32 to index
        %get3A_598 = arith.index_cast %add3A_558 : i32 to index
        %get3A_599 = arith.constant 112 : index
        %get3A_600 = tpu.vector_load %arg7[%get3A_597, %get3A_598, %get3A_599] {strides = array<i32>} : memref<2x64x512xf32, #tpu.memory_space<vmem>>, vector<1x1x16xf32>,
        %get3A_601 = vector.shape_cast %get3A_600 : vector<1x1x16xf32> to vector<16xf32>
        %add3A_602 = arith.addf %get3A_578, %get3A_601 : vector<16xf32>
        %get3A_603 = arith.index_cast %and3A_131 : i32 to index
        %get3A_604 = arith.index_cast %add3A_558 : i32 to index
        %get3A_605 = arith.constant 128 : index
        %get3A_606 = tpu.vector_load %arg7[%get3A_603, %get3A_604, %get3A_605] {strides = array<i32>} : memref<2x64x512xf32, #tpu.memory_space<vmem>>, vector<1x1x16xf32>,
        %get3A_607 = vector.shape_cast %get3A_606 : vector<1x1x16xf32> to vector<16xf32>
        %add3A_608 = arith.addf %add3A_584, %get3A_607 : vector<16xf32>
        %get3A_609 = arith.index_cast %and3A_131 : i32 to index
        %get3A_610 = arith.index_cast %add3A_558 : i32 to index
        %get3A_611 = arith.constant 144 : index
        %get3A_612 = tpu.vector_load %arg7[%get3A_609, %get3A_610, %get3A_611] {strides = array<i32>} : memref<2x64x512xf32, #tpu.memory_space<vmem>>, vector<1x1x16xf32>,
        %get3A_613 = vector.shape_cast %get3A_612 : vector<1x1x16xf32> to vector<16xf32>
        %add3A_614 = arith.addf %add3A_590, %get3A_613 : vector<16xf32>
        %get3A_615 = arith.index_cast %and3A_131 : i32 to index
        %get3A_616 = arith.index_cast %add3A_558 : i32 to index
        %get3A_617 = arith.constant 160 : index
        %get3A_618 = tpu.vector_load %arg7[%get3A_615, %get3A_616, %get3A_617] {strides = array<i32>} : memref<2x64x512xf32, #tpu.memory_space<vmem>>, vector<1x1x16xf32>,
        %get3A_619 = vector.shape_cast %get3A_618 : vector<1x1x16xf32> to vector<16xf32>
        %add3A_620 = arith.addf %add3A_596, %get3A_619 : vector<16xf32>
        %get3A_621 = arith.index_cast %and3A_131 : i32 to index
        %get3A_622 = arith.index_cast %add3A_558 : i32 to index
        %get3A_623 = arith.constant 176 : index
        %get3A_624 = tpu.vector_load %arg7[%get3A_621, %get3A_622, %get3A_623] {strides = array<i32>} : memref<2x64x512xf32, #tpu.memory_space<vmem>>, vector<1x1x16xf32>,
        %get3A_625 = vector.shape_cast %get3A_624 : vector<1x1x16xf32> to vector<16xf32>
        %add3A_626 = arith.addf %add3A_602, %get3A_625 : vector<16xf32>
        %get3A_627 = arith.index_cast %and3A_131 : i32 to index
        %get3A_628 = arith.index_cast %add3A_558 : i32 to index
        %get3A_629 = arith.constant 192 : index
        %get3A_630 = tpu.vector_load %arg7[%get3A_627, %get3A_628, %get3A_629] {strides = array<i32>} : memref<2x64x512xf32, #tpu.memory_space<vmem>>, vector<1x1x16xf32>,
        %get3A_631 = vector.shape_cast %get3A_630 : vector<1x1x16xf32> to vector<16xf32>
        %add3A_632 = arith.addf %add3A_608, %get3A_631 : vector<16xf32>
        %get3A_633 = arith.index_cast %and3A_131 : i32 to index
        %get3A_634 = arith.index_cast %add3A_558 : i32 to index
        %get3A_635 = arith.constant 208 : index
        %get3A_636 = tpu.vector_load %arg7[%get3A_633, %get3A_634, %get3A_635] {strides = array<i32>} : memref<2x64x512xf32, #tpu.memory_space<vmem>>, vector<1x1x16xf32>,
        %get3A_637 = vector.shape_cast %get3A_636 : vector<1x1x16xf32> to vector<16xf32>
        %add3A_638 = arith.addf %add3A_614, %get3A_637 : vector<16xf32>
        %get3A_639 = arith.index_cast %and3A_131 : i32 to index
        %get3A_640 = arith.index_cast %add3A_558 : i32 to index
        %get3A_641 = arith.constant 224 : index
        %get3A_642 = tpu.vector_load %arg7[%get3A_639, %get3A_640, %get3A_641] {strides = array<i32>} : memref<2x64x512xf32, #tpu.memory_space<vmem>>, vector<1x1x16xf32>,
        %get3A_643 = vector.shape_cast %get3A_642 : vector<1x1x16xf32> to vector<16xf32>
        %add3A_644 = arith.addf %add3A_620, %get3A_643 : vector<16xf32>
        %get3A_645 = arith.index_cast %and3A_131 : i32 to index
        %get3A_646 = arith.index_cast %add3A_558 : i32 to index
        %get3A_647 = arith.constant 240 : index
        %get3A_648 = tpu.vector_load %arg7[%get3A_645, %get3A_646, %get3A_647] {strides = array<i32>} : memref<2x64x512xf32, #tpu.memory_space<vmem>>, vector<1x1x16xf32>,
        %get3A_649 = vector.shape_cast %get3A_648 : vector<1x1x16xf32> to vector<16xf32>
        %add3A_650 = arith.addf %add3A_626, %get3A_649 : vector<16xf32>
        %get3A_651 = arith.index_cast %and3A_131 : i32 to index
        %get3A_652 = arith.index_cast %add3A_558 : i32 to index
        %get3A_653 = arith.constant 256 : index
        %get3A_654 = tpu.vector_load %arg7[%get3A_651, %get3A_652, %get3A_653] {strides = array<i32>} : memref<2x64x512xf32, #tpu.memory_space<vmem>>, vector<1x1x16xf32>,
        %get3A_655 = vector.shape_cast %get3A_654 : vector<1x1x16xf32> to vector<16xf32>
        %add3A_656 = arith.addf %add3A_632, %get3A_655 : vector<16xf32>
        %get3A_657 = arith.index_cast %and3A_131 : i32 to index
        %get3A_658 = arith.index_cast %add3A_558 : i32 to index
        %get3A_659 = arith.constant 272 : index
        %get3A_660 = tpu.vector_load %arg7[%get3A_657, %get3A_658, %get3A_659] {strides = array<i32>} : memref<2x64x512xf32, #tpu.memory_space<vmem>>, vector<1x1x16xf32>,
        %get3A_661 = vector.shape_cast %get3A_660 : vector<1x1x16xf32> to vector<16xf32>
        %add3A_662 = arith.addf %add3A_638, %get3A_661 : vector<16xf32>
        %get3A_663 = arith.index_cast %and3A_131 : i32 to index
        %get3A_664 = arith.index_cast %add3A_558 : i32 to index
        %get3A_665 = arith.constant 288 : index
        %get3A_666 = tpu.vector_load %arg7[%get3A_663, %get3A_664, %get3A_665] {strides = array<i32>} : memref<2x64x512xf32, #tpu.memory_space<vmem>>, vector<1x1x16xf32>,
        %get3A_667 = vector.shape_cast %get3A_666 : vector<1x1x16xf32> to vector<16xf32>
        %add3A_668 = arith.addf %add3A_644, %get3A_667 : vector<16xf32>
        %get3A_669 = arith.index_cast %and3A_131 : i32 to index
        %get3A_670 = arith.index_cast %add3A_558 : i32 to index
        %get3A_671 = arith.constant 304 : index
        %get3A_672 = tpu.vector_load %arg7[%get3A_669, %get3A_670, %get3A_671] {strides = array<i32>} : memref<2x64x512xf32, #tpu.memory_space<vmem>>, vector<1x1x16xf32>,
        %get3A_673 = vector.shape_cast %get3A_672 : vector<1x1x16xf32> to vector<16xf32>
        %add3A_674 = arith.addf %add3A_650, %get3A_673 : vector<16xf32>
        %get3A_675 = arith.index_cast %and3A_131 : i32 to index
        %get3A_676 = arith.index_cast %add3A_558 : i32 to index
        %get3A_677 = arith.constant 320 : index
        %get3A_678 = tpu.vector_load %arg7[%get3A_675, %get3A_676, %get3A_677] {strides = array<i32>} : memref<2x64x512xf32, #tpu.memory_space<vmem>>, vector<1x1x16xf32>,
        %get3A_679 = vector.shape_cast %get3A_678 : vector<1x1x16xf32> to vector<16xf32>
        %add3A_680 = arith.addf %add3A_656, %get3A_679 : vector<16xf32>
        %get3A_681 = arith.index_cast %and3A_131 : i32 to index
        %get3A_682 = arith.index_cast %add3A_558 : i32 to index
        %get3A_683 = arith.constant 336 : index
        %get3A_684 = tpu.vector_load %arg7[%get3A_681, %get3A_682, %get3A_683] {strides = array<i32>} : memref<2x64x512xf32, #tpu.memory_space<vmem>>, vector<1x1x16xf32>,
        %get3A_685 = vector.shape_cast %get3A_684 : vector<1x1x16xf32> to vector<16xf32>
        %add3A_686 = arith.addf %add3A_662, %get3A_685 : vector<16xf32>
        %get3A_687 = arith.index_cast %and3A_131 : i32 to index
        %get3A_688 = arith.index_cast %add3A_558 : i32 to index
        %get3A_689 = arith.constant 352 : index
        %get3A_690 = tpu.vector_load %arg7[%get3A_687, %get3A_688, %get3A_689] {strides = array<i32>} : memref<2x64x512xf32, #tpu.memory_space<vmem>>, vector<1x1x16xf32>,
        %get3A_691 = vector.shape_cast %get3A_690 : vector<1x1x16xf32> to vector<16xf32>
        %add3A_692 = arith.addf %add3A_668, %get3A_691 : vector<16xf32>
        %get3A_693 = arith.index_cast %and3A_131 : i32 to index
        %get3A_694 = arith.index_cast %add3A_558 : i32 to index
        %get3A_695 = arith.constant 368 : index
        %get3A_696 = tpu.vector_load %arg7[%get3A_693, %get3A_694, %get3A_695] {strides = array<i32>} : memref<2x64x512xf32, #tpu.memory_space<vmem>>, vector<1x1x16xf32>,
        %get3A_697 = vector.shape_cast %get3A_696 : vector<1x1x16xf32> to vector<16xf32>
        %add3A_698 = arith.addf %add3A_674, %get3A_697 : vector<16xf32>
        %get3A_699 = arith.index_cast %and3A_131 : i32 to index
        %get3A_700 = arith.index_cast %add3A_558 : i32 to index
        %get3A_701 = arith.constant 384 : index
        %get3A_702 = tpu.vector_load %arg7[%get3A_699, %get3A_700, %get3A_701] {strides = array<i32>} : memref<2x64x512xf32, #tpu.memory_space<vmem>>, vector<1x1x16xf32>,
        %get3A_703 = vector.shape_cast %get3A_702 : vector<1x1x16xf32> to vector<16xf32>
        %add3A_704 = arith.addf %add3A_680, %get3A_703 : vector<16xf32>
        %get3A_705 = arith.index_cast %and3A_131 : i32 to index
        %get3A_706 = arith.index_cast %add3A_558 : i32 to index
        %get3A_707 = arith.constant 400 : index
        %get3A_708 = tpu.vector_load %arg7[%get3A_705, %get3A_706, %get3A_707] {strides = array<i32>} : memref<2x64x512xf32, #tpu.memory_space<vmem>>, vector<1x1x16xf32>,
        %get3A_709 = vector.shape_cast %get3A_708 : vector<1x1x16xf32> to vector<16xf32>
        %add3A_710 = arith.addf %add3A_686, %get3A_709 : vector<16xf32>
        %get3A_711 = arith.index_cast %and3A_131 : i32 to index
        %get3A_712 = arith.index_cast %add3A_558 : i32 to index
        %get3A_713 = arith.constant 416 : index
        %get3A_714 = tpu.vector_load %arg7[%get3A_711, %get3A_712, %get3A_713] {strides = array<i32>} : memref<2x64x512xf32, #tpu.memory_space<vmem>>, vector<1x1x16xf32>,
        %get3A_715 = vector.shape_cast %get3A_714 : vector<1x1x16xf32> to vector<16xf32>
        %add3A_716 = arith.addf %add3A_692, %get3A_715 : vector<16xf32>
        %get3A_717 = arith.index_cast %and3A_131 : i32 to index
        %get3A_718 = arith.index_cast %add3A_558 : i32 to index
        %get3A_719 = arith.constant 432 : index
        %get3A_720 = tpu.vector_load %arg7[%get3A_717, %get3A_718, %get3A_719] {strides = array<i32>} : memref<2x64x512xf32, #tpu.memory_space<vmem>>, vector<1x1x16xf32>,
        %get3A_721 = vector.shape_cast %get3A_720 : vector<1x1x16xf32> to vector<16xf32>
        %add3A_722 = arith.addf %add3A_698, %get3A_721 : vector<16xf32>
        %get3A_723 = arith.index_cast %and3A_131 : i32 to index
        %get3A_724 = arith.index_cast %add3A_558 : i32 to index
        %get3A_725 = arith.constant 448 : index
        %get3A_726 = tpu.vector_load %arg7[%get3A_723, %get3A_724, %get3A_725] {strides = array<i32>} : memref<2x64x512xf32, #tpu.memory_space<vmem>>, vector<1x1x16xf32>,
        %get3A_727 = vector.shape_cast %get3A_726 : vector<1x1x16xf32> to vector<16xf32>
        %add3A_728 = arith.addf %add3A_704, %get3A_727 : vector<16xf32>
        %get3A_729 = arith.index_cast %and3A_131 : i32 to index
        %get3A_730 = arith.index_cast %add3A_558 : i32 to index
        %get3A_731 = arith.constant 464 : index
        %get3A_732 = tpu.vector_load %arg7[%get3A_729, %get3A_730, %get3A_731] {strides = array<i32>} : memref<2x64x512xf32, #tpu.memory_space<vmem>>, vector<1x1x16xf32>,
        %get3A_733 = vector.shape_cast %get3A_732 : vector<1x1x16xf32> to vector<16xf32>
        %add3A_734 = arith.addf %add3A_710, %get3A_733 : vector<16xf32>
        %get3A_735 = arith.index_cast %and3A_131 : i32 to index
        %get3A_736 = arith.index_cast %add3A_558 : i32 to index
        %get3A_737 = arith.constant 480 : index
        %get3A_738 = tpu.vector_load %arg7[%get3A_735, %get3A_736, %get3A_737] {strides = array<i32>} : memref<2x64x512xf32, #tpu.memory_space<vmem>>, vector<1x1x16xf32>,
        %get3A_739 = vector.shape_cast %get3A_738 : vector<1x1x16xf32> to vector<16xf32>
        %add3A_740 = arith.addf %add3A_716, %get3A_739 : vector<16xf32>
        %get3A_741 = arith.index_cast %and3A_131 : i32 to index
        %get3A_742 = arith.index_cast %add3A_558 : i32 to index
        %get3A_743 = arith.constant 496 : index
        %get3A_744 = tpu.vector_load %arg7[%get3A_741, %get3A_742, %get3A_743] {strides = array<i32>} : memref<2x64x512xf32, #tpu.memory_space<vmem>>, vector<1x1x16xf32>,
        %get3A_745 = vector.shape_cast %get3A_744 : vector<1x1x16xf32> to vector<16xf32>
        %add3A_746 = arith.addf %add3A_722, %get3A_745 : vector<16xf32>
        %add3A_747 = arith.addf %add3A_728, %add3A_734 : vector<16xf32>
        %add3A_748 = arith.addf %add3A_740, %add3A_746 : vector<16xf32>
        %add3A_749 = arith.addf %add3A_747, %add3A_748 : vector<16xf32>
        %broadcast_in_dim3A_750 = arith.constant 2 : i32
        %broadcast_in_dim3A_751 = vector.broadcast %broadcast_in_dim3A_750 : i32 to vector<16xi32>
        %broadcast_in_dim3A_752 = vector.shape_cast %broadcast_in_dim3A_751 : vector<16xi32> to vector<16x1xi32>
        %gather3A_753 = vector.shape_cast %broadcast_in_dim3A_752 : vector<16x1xi32> to vector<16xi32>
        %gather3A_754 = tpu.dynamic_gather %get3A_150[%gather3A_753] in [0] : vector<16xf32>, vector<16xi32> -> vector<16xf32>
        %mul3A_755 = arith.mulf %gather3A_754, %add3A_749 : vector<16xf32>
        %add3A_756 = arith.addf %scan3A_141, %mul3A_755 : vector<16xf32>
        %mul3A_757 = arith.constant 4 : i32
        %mul3A_758 = arith.muli %scan3A_138, %mul3A_757 : i32
        %add3A_759 = arith.constant 3 : i32
        %add3A_760 = arith.addi %mul3A_758, %add3A_759 : i32
        %get3A_761 = arith.index_cast %and3A_131 : i32 to index
        %get3A_762 = arith.index_cast %add3A_760 : i32 to index
        %get3A_763 = arith.constant 0 : index
        %get3A_764 = tpu.vector_load %arg7[%get3A_761, %get3A_762, %get3A_763] {strides = array<i32>} : memref<2x64x512xf32, #tpu.memory_space<vmem>>, vector<1x1x16xf32>,
        %get3A_765 = vector.shape_cast %get3A_764 : vector<1x1x16xf32> to vector<16xf32>
        %get3A_766 = arith.index_cast %and3A_131 : i32 to index
        %get3A_767 = arith.index_cast %add3A_760 : i32 to index
        %get3A_768 = arith.constant 16 : index
        %get3A_769 = tpu.vector_load %arg7[%get3A_766, %get3A_767, %get3A_768] {strides = array<i32>} : memref<2x64x512xf32, #tpu.memory_space<vmem>>, vector<1x1x16xf32>,
        %get3A_770 = vector.shape_cast %get3A_769 : vector<1x1x16xf32> to vector<16xf32>
        %get3A_771 = arith.index_cast %and3A_131 : i32 to index
        %get3A_772 = arith.index_cast %add3A_760 : i32 to index
        %get3A_773 = arith.constant 32 : index
        %get3A_774 = tpu.vector_load %arg7[%get3A_771, %get3A_772, %get3A_773] {strides = array<i32>} : memref<2x64x512xf32, #tpu.memory_space<vmem>>, vector<1x1x16xf32>,
        %get3A_775 = vector.shape_cast %get3A_774 : vector<1x1x16xf32> to vector<16xf32>
        %get3A_776 = arith.index_cast %and3A_131 : i32 to index
        %get3A_777 = arith.index_cast %add3A_760 : i32 to index
        %get3A_778 = arith.constant 48 : index
        %get3A_779 = tpu.vector_load %arg7[%get3A_776, %get3A_777, %get3A_778] {strides = array<i32>} : memref<2x64x512xf32, #tpu.memory_space<vmem>>, vector<1x1x16xf32>,
        %get3A_780 = vector.shape_cast %get3A_779 : vector<1x1x16xf32> to vector<16xf32>
        %get3A_781 = arith.index_cast %and3A_131 : i32 to index
        %get3A_782 = arith.index_cast %add3A_760 : i32 to index
        %get3A_783 = arith.constant 64 : index
        %get3A_784 = tpu.vector_load %arg7[%get3A_781, %get3A_782, %get3A_783] {strides = array<i32>} : memref<2x64x512xf32, #tpu.memory_space<vmem>>, vector<1x1x16xf32>,
        %get3A_785 = vector.shape_cast %get3A_784 : vector<1x1x16xf32> to vector<16xf32>
        %add3A_786 = arith.addf %get3A_765, %get3A_785 : vector<16xf32>
        %get3A_787 = arith.index_cast %and3A_131 : i32 to index
        %get3A_788 = arith.index_cast %add3A_760 : i32 to index
        %get3A_789 = arith.constant 80 : index
        %get3A_790 = tpu.vector_load %arg7[%get3A_787, %get3A_788, %get3A_789] {strides = array<i32>} : memref<2x64x512xf32, #tpu.memory_space<vmem>>, vector<1x1x16xf32>,
        %get3A_791 = vector.shape_cast %get3A_790 : vector<1x1x16xf32> to vector<16xf32>
        %add3A_792 = arith.addf %get3A_770, %get3A_791 : vector<16xf32>
        %get3A_793 = arith.index_cast %and3A_131 : i32 to index
        %get3A_794 = arith.index_cast %add3A_760 : i32 to index
        %get3A_795 = arith.constant 96 : index
        %get3A_796 = tpu.vector_load %arg7[%get3A_793, %get3A_794, %get3A_795] {strides = array<i32>} : memref<2x64x512xf32, #tpu.memory_space<vmem>>, vector<1x1x16xf32>,
        %get3A_797 = vector.shape_cast %get3A_796 : vector<1x1x16xf32> to vector<16xf32>
        %add3A_798 = arith.addf %get3A_775, %get3A_797 : vector<16xf32>
        %get3A_799 = arith.index_cast %and3A_131 : i32 to index
        %get3A_800 = arith.index_cast %add3A_760 : i32 to index
        %get3A_801 = arith.constant 112 : index
        %get3A_802 = tpu.vector_load %arg7[%get3A_799, %get3A_800, %get3A_801] {strides = array<i32>} : memref<2x64x512xf32, #tpu.memory_space<vmem>>, vector<1x1x16xf32>,
        %get3A_803 = vector.shape_cast %get3A_802 : vector<1x1x16xf32> to vector<16xf32>
        %add3A_804 = arith.addf %get3A_780, %get3A_803 : vector<16xf32>
        %get3A_805 = arith.index_cast %and3A_131 : i32 to index
        %get3A_806 = arith.index_cast %add3A_760 : i32 to index
        %get3A_807 = arith.constant 128 : index
        %get3A_808 = tpu.vector_load %arg7[%get3A_805, %get3A_806, %get3A_807] {strides = array<i32>} : memref<2x64x512xf32, #tpu.memory_space<vmem>>, vector<1x1x16xf32>,
        %get3A_809 = vector.shape_cast %get3A_808 : vector<1x1x16xf32> to vector<16xf32>
        %add3A_810 = arith.addf %add3A_786, %get3A_809 : vector<16xf32>
        %get3A_811 = arith.index_cast %and3A_131 : i32 to index
        %get3A_812 = arith.index_cast %add3A_760 : i32 to index
        %get3A_813 = arith.constant 144 : index
        %get3A_814 = tpu.vector_load %arg7[%get3A_811, %get3A_812, %get3A_813] {strides = array<i32>} : memref<2x64x512xf32, #tpu.memory_space<vmem>>, vector<1x1x16xf32>,
        %get3A_815 = vector.shape_cast %get3A_814 : vector<1x1x16xf32> to vector<16xf32>
        %add3A_816 = arith.addf %add3A_792, %get3A_815 : vector<16xf32>
        %get3A_817 = arith.index_cast %and3A_131 : i32 to index
        %get3A_818 = arith.index_cast %add3A_760 : i32 to index
        %get3A_819 = arith.constant 160 : index
        %get3A_820 = tpu.vector_load %arg7[%get3A_817, %get3A_818, %get3A_819] {strides = array<i32>} : memref<2x64x512xf32, #tpu.memory_space<vmem>>, vector<1x1x16xf32>,
        %get3A_821 = vector.shape_cast %get3A_820 : vector<1x1x16xf32> to vector<16xf32>
        %add3A_822 = arith.addf %add3A_798, %get3A_821 : vector<16xf32>
        %get3A_823 = arith.index_cast %and3A_131 : i32 to index
        %get3A_824 = arith.index_cast %add3A_760 : i32 to index
        %get3A_825 = arith.constant 176 : index
        %get3A_826 = tpu.vector_load %arg7[%get3A_823, %get3A_824, %get3A_825] {strides = array<i32>} : memref<2x64x512xf32, #tpu.memory_space<vmem>>, vector<1x1x16xf32>,
        %get3A_827 = vector.shape_cast %get3A_826 : vector<1x1x16xf32> to vector<16xf32>
        %add3A_828 = arith.addf %add3A_804, %get3A_827 : vector<16xf32>
        %get3A_829 = arith.index_cast %and3A_131 : i32 to index
        %get3A_830 = arith.index_cast %add3A_760 : i32 to index
        %get3A_831 = arith.constant 192 : index
        %get3A_832 = tpu.vector_load %arg7[%get3A_829, %get3A_830, %get3A_831] {strides = array<i32>} : memref<2x64x512xf32, #tpu.memory_space<vmem>>, vector<1x1x16xf32>,
        %get3A_833 = vector.shape_cast %get3A_832 : vector<1x1x16xf32> to vector<16xf32>
        %add3A_834 = arith.addf %add3A_810, %get3A_833 : vector<16xf32>
        %get3A_835 = arith.index_cast %and3A_131 : i32 to index
        %get3A_836 = arith.index_cast %add3A_760 : i32 to index
        %get3A_837 = arith.constant 208 : index
        %get3A_838 = tpu.vector_load %arg7[%get3A_835, %get3A_836, %get3A_837] {strides = array<i32>} : memref<2x64x512xf32, #tpu.memory_space<vmem>>, vector<1x1x16xf32>,
        %get3A_839 = vector.shape_cast %get3A_838 : vector<1x1x16xf32> to vector<16xf32>
        %add3A_840 = arith.addf %add3A_816, %get3A_839 : vector<16xf32>
        %get3A_841 = arith.index_cast %and3A_131 : i32 to index
        %get3A_842 = arith.index_cast %add3A_760 : i32 to index
        %get3A_843 = arith.constant 224 : index
        %get3A_844 = tpu.vector_load %arg7[%get3A_841, %get3A_842, %get3A_843] {strides = array<i32>} : memref<2x64x512xf32, #tpu.memory_space<vmem>>, vector<1x1x16xf32>,
        %get3A_845 = vector.shape_cast %get3A_844 : vector<1x1x16xf32> to vector<16xf32>
        %add3A_846 = arith.addf %add3A_822, %get3A_845 : vector<16xf32>
        %get3A_847 = arith.index_cast %and3A_131 : i32 to index
        %get3A_848 = arith.index_cast %add3A_760 : i32 to index
        %get3A_849 = arith.constant 240 : index
        %get3A_850 = tpu.vector_load %arg7[%get3A_847, %get3A_848, %get3A_849] {strides = array<i32>} : memref<2x64x512xf32, #tpu.memory_space<vmem>>, vector<1x1x16xf32>,
        %get3A_851 = vector.shape_cast %get3A_850 : vector<1x1x16xf32> to vector<16xf32>
        %add3A_852 = arith.addf %add3A_828, %get3A_851 : vector<16xf32>
        %get3A_853 = arith.index_cast %and3A_131 : i32 to index
        %get3A_854 = arith.index_cast %add3A_760 : i32 to index
        %get3A_855 = arith.constant 256 : index
        %get3A_856 = tpu.vector_load %arg7[%get3A_853, %get3A_854, %get3A_855] {strides = array<i32>} : memref<2x64x512xf32, #tpu.memory_space<vmem>>, vector<1x1x16xf32>,
        %get3A_857 = vector.shape_cast %get3A_856 : vector<1x1x16xf32> to vector<16xf32>
        %add3A_858 = arith.addf %add3A_834, %get3A_857 : vector<16xf32>
        %get3A_859 = arith.index_cast %and3A_131 : i32 to index
        %get3A_860 = arith.index_cast %add3A_760 : i32 to index
        %get3A_861 = arith.constant 272 : index
        %get3A_862 = tpu.vector_load %arg7[%get3A_859, %get3A_860, %get3A_861] {strides = array<i32>} : memref<2x64x512xf32, #tpu.memory_space<vmem>>, vector<1x1x16xf32>,
        %get3A_863 = vector.shape_cast %get3A_862 : vector<1x1x16xf32> to vector<16xf32>
        %add3A_864 = arith.addf %add3A_840, %get3A_863 : vector<16xf32>
        %get3A_865 = arith.index_cast %and3A_131 : i32 to index
        %get3A_866 = arith.index_cast %add3A_760 : i32 to index
        %get3A_867 = arith.constant 288 : index
        %get3A_868 = tpu.vector_load %arg7[%get3A_865, %get3A_866, %get3A_867] {strides = array<i32>} : memref<2x64x512xf32, #tpu.memory_space<vmem>>, vector<1x1x16xf32>,
        %get3A_869 = vector.shape_cast %get3A_868 : vector<1x1x16xf32> to vector<16xf32>
        %add3A_870 = arith.addf %add3A_846, %get3A_869 : vector<16xf32>
        %get3A_871 = arith.index_cast %and3A_131 : i32 to index
        %get3A_872 = arith.index_cast %add3A_760 : i32 to index
        %get3A_873 = arith.constant 304 : index
        %get3A_874 = tpu.vector_load %arg7[%get3A_871, %get3A_872, %get3A_873] {strides = array<i32>} : memref<2x64x512xf32, #tpu.memory_space<vmem>>, vector<1x1x16xf32>,
        %get3A_875 = vector.shape_cast %get3A_874 : vector<1x1x16xf32> to vector<16xf32>
        %add3A_876 = arith.addf %add3A_852, %get3A_875 : vector<16xf32>
        %get3A_877 = arith.index_cast %and3A_131 : i32 to index
        %get3A_878 = arith.index_cast %add3A_760 : i32 to index
        %get3A_879 = arith.constant 320 : index
        %get3A_880 = tpu.vector_load %arg7[%get3A_877, %get3A_878, %get3A_879] {strides = array<i32>} : memref<2x64x512xf32, #tpu.memory_space<vmem>>, vector<1x1x16xf32>,
        %get3A_881 = vector.shape_cast %get3A_880 : vector<1x1x16xf32> to vector<16xf32>
        %add3A_882 = arith.addf %add3A_858, %get3A_881 : vector<16xf32>
        %get3A_883 = arith.index_cast %and3A_131 : i32 to index
        %get3A_884 = arith.index_cast %add3A_760 : i32 to index
        %get3A_885 = arith.constant 336 : index
        %get3A_886 = tpu.vector_load %arg7[%get3A_883, %get3A_884, %get3A_885] {strides = array<i32>} : memref<2x64x512xf32, #tpu.memory_space<vmem>>, vector<1x1x16xf32>,
        %get3A_887 = vector.shape_cast %get3A_886 : vector<1x1x16xf32> to vector<16xf32>
        %add3A_888 = arith.addf %add3A_864, %get3A_887 : vector<16xf32>
        %get3A_889 = arith.index_cast %and3A_131 : i32 to index
        %get3A_890 = arith.index_cast %add3A_760 : i32 to index
        %get3A_891 = arith.constant 352 : index
        %get3A_892 = tpu.vector_load %arg7[%get3A_889, %get3A_890, %get3A_891] {strides = array<i32>} : memref<2x64x512xf32, #tpu.memory_space<vmem>>, vector<1x1x16xf32>,
        %get3A_893 = vector.shape_cast %get3A_892 : vector<1x1x16xf32> to vector<16xf32>
        %add3A_894 = arith.addf %add3A_870, %get3A_893 : vector<16xf32>
        %get3A_895 = arith.index_cast %and3A_131 : i32 to index
        %get3A_896 = arith.index_cast %add3A_760 : i32 to index
        %get3A_897 = arith.constant 368 : index
        %get3A_898 = tpu.vector_load %arg7[%get3A_895, %get3A_896, %get3A_897] {strides = array<i32>} : memref<2x64x512xf32, #tpu.memory_space<vmem>>, vector<1x1x16xf32>,
        %get3A_899 = vector.shape_cast %get3A_898 : vector<1x1x16xf32> to vector<16xf32>
        %add3A_900 = arith.addf %add3A_876, %get3A_899 : vector<16xf32>
        %get3A_901 = arith.index_cast %and3A_131 : i32 to index
        %get3A_902 = arith.index_cast %add3A_760 : i32 to index
        %get3A_903 = arith.constant 384 : index
        %get3A_904 = tpu.vector_load %arg7[%get3A_901, %get3A_902, %get3A_903] {strides = array<i32>} : memref<2x64x512xf32, #tpu.memory_space<vmem>>, vector<1x1x16xf32>,
        %get3A_905 = vector.shape_cast %get3A_904 : vector<1x1x16xf32> to vector<16xf32>
        %add3A_906 = arith.addf %add3A_882, %get3A_905 : vector<16xf32>
        %get3A_907 = arith.index_cast %and3A_131 : i32 to index
        %get3A_908 = arith.index_cast %add3A_760 : i32 to index
        %get3A_909 = arith.constant 400 : index
        %get3A_910 = tpu.vector_load %arg7[%get3A_907, %get3A_908, %get3A_909] {strides = array<i32>} : memref<2x64x512xf32, #tpu.memory_space<vmem>>, vector<1x1x16xf32>,
        %get3A_911 = vector.shape_cast %get3A_910 : vector<1x1x16xf32> to vector<16xf32>
        %add3A_912 = arith.addf %add3A_888, %get3A_911 : vector<16xf32>
        %get3A_913 = arith.index_cast %and3A_131 : i32 to index
        %get3A_914 = arith.index_cast %add3A_760 : i32 to index
        %get3A_915 = arith.constant 416 : index
        %get3A_916 = tpu.vector_load %arg7[%get3A_913, %get3A_914, %get3A_915] {strides = array<i32>} : memref<2x64x512xf32, #tpu.memory_space<vmem>>, vector<1x1x16xf32>,
        %get3A_917 = vector.shape_cast %get3A_916 : vector<1x1x16xf32> to vector<16xf32>
        %add3A_918 = arith.addf %add3A_894, %get3A_917 : vector<16xf32>
        %get3A_919 = arith.index_cast %and3A_131 : i32 to index
        %get3A_920 = arith.index_cast %add3A_760 : i32 to index
        %get3A_921 = arith.constant 432 : index
        %get3A_922 = tpu.vector_load %arg7[%get3A_919, %get3A_920, %get3A_921] {strides = array<i32>} : memref<2x64x512xf32, #tpu.memory_space<vmem>>, vector<1x1x16xf32>,
        %get3A_923 = vector.shape_cast %get3A_922 : vector<1x1x16xf32> to vector<16xf32>
        %add3A_924 = arith.addf %add3A_900, %get3A_923 : vector<16xf32>
        %get3A_925 = arith.index_cast %and3A_131 : i32 to index
        %get3A_926 = arith.index_cast %add3A_760 : i32 to index
        %get3A_927 = arith.constant 448 : index
        %get3A_928 = tpu.vector_load %arg7[%get3A_925, %get3A_926, %get3A_927] {strides = array<i32>} : memref<2x64x512xf32, #tpu.memory_space<vmem>>, vector<1x1x16xf32>,
        %get3A_929 = vector.shape_cast %get3A_928 : vector<1x1x16xf32> to vector<16xf32>
        %add3A_930 = arith.addf %add3A_906, %get3A_929 : vector<16xf32>
        %get3A_931 = arith.index_cast %and3A_131 : i32 to index
        %get3A_932 = arith.index_cast %add3A_760 : i32 to index
        %get3A_933 = arith.constant 464 : index
        %get3A_934 = tpu.vector_load %arg7[%get3A_931, %get3A_932, %get3A_933] {strides = array<i32>} : memref<2x64x512xf32, #tpu.memory_space<vmem>>, vector<1x1x16xf32>,
        %get3A_935 = vector.shape_cast %get3A_934 : vector<1x1x16xf32> to vector<16xf32>
        %add3A_936 = arith.addf %add3A_912, %get3A_935 : vector<16xf32>
        %get3A_937 = arith.index_cast %and3A_131 : i32 to index
        %get3A_938 = arith.index_cast %add3A_760 : i32 to index
        %get3A_939 = arith.constant 480 : index
        %get3A_940 = tpu.vector_load %arg7[%get3A_937, %get3A_938, %get3A_939] {strides = array<i32>} : memref<2x64x512xf32, #tpu.memory_space<vmem>>, vector<1x1x16xf32>,
        %get3A_941 = vector.shape_cast %get3A_940 : vector<1x1x16xf32> to vector<16xf32>
        %add3A_942 = arith.addf %add3A_918, %get3A_941 : vector<16xf32>
        %get3A_943 = arith.index_cast %and3A_131 : i32 to index
        %get3A_944 = arith.index_cast %add3A_760 : i32 to index
        %get3A_945 = arith.constant 496 : index
        %get3A_946 = tpu.vector_load %arg7[%get3A_943, %get3A_944, %get3A_945] {strides = array<i32>} : memref<2x64x512xf32, #tpu.memory_space<vmem>>, vector<1x1x16xf32>,
        %get3A_947 = vector.shape_cast %get3A_946 : vector<1x1x16xf32> to vector<16xf32>
        %add3A_948 = arith.addf %add3A_924, %get3A_947 : vector<16xf32>
        %add3A_949 = arith.addf %add3A_930, %add3A_936 : vector<16xf32>
        %add3A_950 = arith.addf %add3A_942, %add3A_948 : vector<16xf32>
        %add3A_951 = arith.addf %add3A_949, %add3A_950 : vector<16xf32>
        %broadcast_in_dim3A_952 = arith.constant 3 : i32
        %broadcast_in_dim3A_953 = vector.broadcast %broadcast_in_dim3A_952 : i32 to vector<16xi32>
        %broadcast_in_dim3A_954 = vector.shape_cast %broadcast_in_dim3A_953 : vector<16xi32> to vector<16x1xi32>
        %gather3A_955 = vector.shape_cast %broadcast_in_dim3A_954 : vector<16x1xi32> to vector<16xi32>
        %gather3A_956 = tpu.dynamic_gather %get3A_150[%gather3A_955] in [0] : vector<16xf32>, vector<16xi32> -> vector<16xf32>
        %mul3A_957 = arith.mulf %gather3A_956, %add3A_951 : vector<16xf32>
        %add3A_958 = arith.addf %scan3A_142, %mul3A_957 : vector<16xf32>
        scf.yield %add3A_352, %add3A_554, %add3A_756, %add3A_958 : vector<16xf32>, vector<16xf32>, vector<16xf32>, vector<16xf32>
      }
      %scan3A_137 = arith.constant 16 : i32
      scf.yield %scan3A_136#0, %scan3A_136#1, %scan3A_136#2, %scan3A_136#3 : vector<16xf32>, vector<16xf32>, vector<16xf32>, vector<16xf32>
    }
    %scan3A_96 = arith.constant 4 : i32
    %add3A_97 = arith.addf %scan3A_95#0, %scan3A_95#1 : vector<16xf32>
    %add3A_98 = arith.addf %scan3A_95#2, %scan3A_95#3 : vector<16xf32>
    %add3A_99 = arith.addf %add3A_97, %add3A_98 : vector<16xf32>
    %swap3A = arith.constant 0 : index
    %swap3A_100 = tpu.vector_load %arg10[%swap3A] {strides = array<i32>} : memref<16xf32, #tpu.memory_space<vmem>>, vector<16xf32>,
    %swap3A_101 = vector.shape_cast %swap3A_100 : vector<16xf32> to vector<16xf32>
    %swap3A_102 = vector.shape_cast %add3A_99 : vector<16xf32> to vector<16xf32>
    tpu.vector_store %arg10[%swap3A], %swap3A_102 {strides = array<i32>} : memref<16xf32, #tpu.memory_space<vmem>>, vector<16xf32>,
    "tpu.region"() ({
      %run_scoped3A = tpu.sem_alloc : memref<!tpu.dma_semaphore, #tpu.memory_space<semaphore_mem>>
      %dma_start3A_103 = arith.constant 0 : i32
      %dma_start3A_104 = tpu.memref_slice %arg5[%add3A, %dma_start3A_103] : memref<32x16xf32, #tpu.memory_space<hbm>> -> memref<1x16xf32, #tpu.memory_space<hbm>>
      %dma_start3A_105 = tpu.memref_squeeze %dma_start3A_104 : memref<1x16xf32, #tpu.memory_space<hbm>> -> memref<16xf32, #tpu.memory_space<hbm>>
      %dma_start3A_106 = arith.constant 0 : i32
      %dma_start3A_107 = tpu.memref_slice %arg5[%add3A, %dma_start3A_106] : memref<32x16xf32, #tpu.memory_space<hbm>> -> memref<1x16xf32, #tpu.memory_space<hbm>>
      %dma_start3A_108 = tpu.memref_squeeze %dma_start3A_107 : memref<1x16xf32, #tpu.memory_space<hbm>> -> memref<16xf32, #tpu.memory_space<hbm>>
      tpu.enqueue_dma source(%arg10 : memref<16xf32, #tpu.memory_space<vmem>>) target(%dma_start3A_108 : memref<16xf32, #tpu.memory_space<hbm>>) target_semaphore(%run_scoped3A : memref<!tpu.dma_semaphore, #tpu.memory_space<semaphore_mem>>)
      %dma_wait3A_109 = arith.constant 0 : i32
      %dma_wait3A_110 = tpu.memref_slice %arg5[%add3A, %dma_wait3A_109] : memref<32x16xf32, #tpu.memory_space<hbm>> -> memref<1x16xf32, #tpu.memory_space<hbm>>
      %dma_wait3A_111 = tpu.memref_squeeze %dma_wait3A_110 : memref<1x16xf32, #tpu.memory_space<hbm>> -> memref<16xf32, #tpu.memory_space<hbm>>
      %dma_wait3A_112 = arith.constant 0 : i32
      %dma_wait3A_113 = tpu.memref_slice %arg5[%add3A, %dma_wait3A_112] : memref<32x16xf32, #tpu.memory_space<hbm>> -> memref<1x16xf32, #tpu.memory_space<hbm>>
      %dma_wait3A_114 = tpu.memref_squeeze %dma_wait3A_113 : memref<1x16xf32, #tpu.memory_space<hbm>> -> memref<16xf32, #tpu.memory_space<hbm>>
      tpu.wait_dma2 semaphore(%run_scoped3A : memref<!tpu.dma_semaphore, #tpu.memory_space<semaphore_mem>>) src(%arg10 : memref<16xf32, #tpu.memory_space<vmem>>) dst(%dma_wait3A_114 : memref<16xf32, #tpu.memory_space<hbm>>)
      tpu.yield
    }) : () -> ()
    return
  }
}

</mosaic_0001>

<sc_bundles>
// kernel: _run.3.cloned.1.call-start
scs
__scs_entry_jumppad:
0x0: {  	(pc) =	sbr.rel $0x88, $3  }
0x1: {  	(tag) =	ssettag $0x0;
	lr =	simm.s32 $0x1  }
0x2: {  	[smem:$0x3F9E] =	sst lr;
	_ =	strace $0xD0000000  }
0x3: {  	_ = 	snop  }
0x4: {  	_ = 	snop  }
0x5: {  	_ = 	snop  }
0x6: {  	_ = 	snop  }
0x7: {  	_ = 	snop  }
__scs_overlays_trampoline_lowered:
0x8: {  	[smem:$0x3FAD] =	sst s0  }
0x9: {  	[smem:$0x3FAE] =	sst s1  }
0xa: {  	[smem:$0x3FAF] =	sst s2  }
0xb: {  	[smem:$0x3FB0] =	sst s3  }
0xc: {  	[smem:$0x3FB1] =	sst s4  }
0xd: {  	[smem:$0x3FB2] =	sst s5  }
0xe: {  	[smem:$0x3FB3] =	sst s6  }
0xf: {  	[smem:$0x3FB4] =	sst s7  }
0x10: {  	[smem:$0x3FB5] =	sst s8  }
0x11: {  	[smem:$0x3FB6] =	sst s9;
	s0 =	simm.s32 @!p0 $0x0  }
0x12: {  	s1 =	sld [smem:$0x3F9C];
	s0 =	simm.s32 @p0 $0x1  }
0x13: {  	[smem:$0x3FB7] =	sst s0;
	s0 =	simm.s32 @!p1 $0x0  }
0x14: {  	s2 =	sld [smem:$0x3F9B];
	s0 =	simm.s32 @p1 $0x1  }
0x15: {  	[smem:$0x3FB8] =	sst s0;
	s0 =	simm.s32 @!p2 $0x0  }
0x16: {  	s3 =	sld [smem:$0x3FDB];
	s0 =	simm.s32 @p2 $0x1  }
0x17: {  	s4 =	simm.s32 $0x1BF5;
	[smem:$0x3FBA] =	sst s0  }
0x18: {  	s0 =	sld [smem:$0x3F9D];
	_ =	swait.ge [sflag:s4], $0x0  }
0x19: {  	s7 =	sld [smem:$0x3F9E]  }
0x1a: {  	s8 =	sadd.s32 $0xFFFFE003, lr  }
0x1b: {  	s9 =	sadd.s32 $0xFFFFFEF7, lr;
	s5 =	simm.s32 $0xFFFFFFFF;
	p2 =	slt.u32 s8, $0xFFFFF086  }
0x1c: {  	p1 =	slt.u32 s9, $0xF7A;
	s5 =	simm.s32 @!p2 $0x0  }
0x1d: {  	s5 =	simm.s32 @p1 $0x1;
	p0 =	seq.s32 s7, s2  }
0x1e: {  	s7 =	smul.u32 @!p0 $0xF7A, s2;
	p2 =	seq.s32 @!p0 s5, $0x0  }
0x1f: {  	s9 =	smul.u32 $0xF7A, s1;
	s8 =	simm.s32 @!p0 $0x1BF5;
	p2 =	por !p2, p0  }
0x20: {  	[sflag:s8] =	ssyncset.s32 @!p0 $0xFFFFF086;
	s6 =	sadd.s32 @!p0 s3, s7;
	s7 =	simm.s32 @!p0 $0x108  }
0x21: {  	s3 =	sadd.s32 s3, s9;
	s6 =	sadd.s32 @!p0 $0x88, s6;
	s7 =	simm.s32 @p2 $0x1082  }
0x22: {  	[simem:s7], [sflag:s8] =	dma.local @!p0 [hbm:s6], $0xF7A  }
0x23: {  	s9 =	sor.u32 $0xD0000000, s2;
	s6 =	simm.s32 $0x108;
	_ =	swait.ge @!p0 [sflag:s8], $0x0  }
0x24: {  	s3 =	sadd.s32 $0x88, s3;
	s6 =	simm.s32 @!p1 $0x1082;
	[sflag:s4] =	ssyncset.s32 $0xFFFFF086  }
0x25: {  	[simem:s6], [sflag:s4] =	dma.local [hbm:s3], $0xF7A  }
0x26: {  	[smem:$0x3F9E] =	sst s1;
	(tag) =	ssettag s2;
	_ =	strace s9  }
0x27: {  	s1 =	sld [smem:$0x3FAE]  }
0x28: {  	s2 =	sld [smem:$0x3FAF]  }
0x29: {  	s4 =	sld [smem:$0x3FB1]  }
0x2a: {  	p0 =	seq.s32 s5, $0x0;
	s5 =	sld [smem:$0x3FB2]  }
0x2b: {  	s6 =	sld [smem:$0x3FB3]  }
0x2c: {  	s7 =	sld [smem:$0x3FB4]  }
0x2d: {  	s3 =	simm.s32 $0x108;
	s8 =	sld [smem:$0x3FB5]  }
0x2e: {  	s3 =	simm.s32 @!p0 $0x1082;
	s9 =	sld [smem:$0x3FB6]  }
0x2f: {  	lr =	sadd.s32 s0, s3;
	s0 =	sld [smem:$0x3FAD]  }
0x30: {  	s3 =	sld [smem:$0x3FB0]  }
0x31: {  	[smem:$0x3FB9] =	sst s10  }
0x32: {  	s10 =	sld [smem:$0x3FB7];
	_ =	sdelay $0x3  }
0x33: {  	p0 =	seq.s32 s10, $0x1;
	s10 =	sld [smem:$0x3FB9];
	_ =	sdelay $0x3  }
0x34: {  	[smem:$0x3FB9] =	sst s10  }
0x35: {  	s10 =	sld [smem:$0x3FB8];
	_ =	sdelay $0x3  }
0x36: {  	p1 =	seq.s32 s10, $0x1;
	s10 =	sld [smem:$0x3FB9];
	_ =	sdelay $0x3  }
0x37: {  	[smem:$0x3FB9] =	sst s10  }
0x38: {  	s10 =	sld [smem:$0x3FBA]  }
0x39: {  	_ = 	snop;
	(pc) =	sbr.ind lr, $3  }
0x3a: {  	_ = 	snop  }
0x3b: {  	_ = 	snop  }
0x3c: {  	p2 =	seq.s32 s10, $0x1;
	s10 =	sld [smem:$0x3FB9]  }
0x3d: {  	_ =	shalt  }
0x3e: {  	_ =	shalt  }
0x3f: {  	_ =	shalt  }
0x40: {  	_ =	shalt  }
0x41: {  	_ =	shalt  }
0x42: {  	_ =	shalt  }
0x43: {  	_ =	shalt  }
0x44: {  	_ =	shalt  }
0x45: {  	_ =	shalt  }
0x46: {  	_ =	shalt  }
0x47: {  	_ =	shalt  }
0x48: {  	_ =	shalt  }
0x49: {  	_ =	shalt  }
0x4a: {  	_ =	shalt  }
0x4b: {  	_ =	shalt  }
0x4c: {  	_ =	shalt  }
0x4d: {  	_ =	shalt  }
0x4e: {  	_ =	shalt  }
0x4f: {  	_ =	shalt  }
0x50: {  	_ =	shalt  }
0x51: {  	_ =	shalt  }
0x52: {  	_ =	shalt  }
0x53: {  	_ =	shalt  }
0x54: {  	_ =	shalt  }
0x55: {  	_ =	shalt  }
0x56: {  	_ =	shalt  }
0x57: {  	_ =	shalt  }
0x58: {  	_ =	shalt  }
0x59: {  	_ =	shalt  }
0x5a: {  	_ =	shalt  }
0x5b: {  	_ =	shalt  }
0x5c: {  	_ =	shalt  }
0x5d: {  	_ =	shalt  }
0x5e: {  	_ =	shalt  }
0x5f: {  	_ =	shalt  }
0x60: {  	_ =	shalt  }
0x61: {  	_ =	shalt  }
0x62: {  	_ =	shalt  }
0x63: {  	_ =	shalt  }
0x64: {  	_ =	shalt  }
0x65: {  	_ =	shalt  }
0x66: {  	_ =	shalt  }
0x67: {  	_ =	shalt  }
0x68: {  	_ =	shalt  }
0x69: {  	_ =	shalt  }
0x6a: {  	_ =	shalt  }
0x6b: {  	_ =	shalt  }
0x6c: {  	_ =	shalt  }
0x6d: {  	_ =	shalt  }
0x6e: {  	_ =	shalt  }
0x6f: {  	_ =	shalt  }
0x70: {  	_ =	shalt  }
0x71: {  	_ =	shalt  }
0x72: {  	_ =	shalt  }
0x73: {  	_ =	shalt  }
0x74: {  	_ =	shalt  }
0x75: {  	_ =	shalt  }
0x76: {  	_ =	shalt  }
0x77: {  	_ =	shalt  }
0x78: {  	_ =	shalt  }
0x79: {  	_ =	shalt  }
0x7a: {  	_ =	shalt  }
0x7b: {  	_ =	shalt  }
0x7c: {  	_ =	shalt  }
0x7d: {  	_ =	shalt  }
0x7e: {  	_ =	shalt  }
0x7f: {  	_ =	shalt  }
0x80: {  	_ =	shalt  }
0x81: {  	_ =	shalt  }
0x82: {  	_ =	shalt  }
0x83: {  	_ =	shalt  }
0x84: {  	_ =	shalt  }
0x85: {  	_ =	shalt  }
0x86: {  	_ =	shalt  }
0x87: {  	_ =	shalt  }
.Lfunc_end0:
.L_simem_size_0:
called_computation_lowered:
.L_overlay_start_0:
0x88: {  	s2 =	sld [smem:$0x3FD9]  }
0x89: {  	s3 =	sld [smem:$0x3FFE];
	_ =	sdelay $0x1  }
0x8a: {  	s1 =	srdreg.scid  }
0x8b: {  	s0 =	sand.u32 $0x1, s1  }
0x8c: {  	s17 =	sshll.u32 s0, $0xA;
	s2 =	sadd.s32 s3, s2  }
0x8d: {  	s2 =	sadd.s32 s2, s17  }
0x8e: {  	[smem:$0x3FC5] =	sst s2  }
0x8f: {  	_ = 	snop  }
0x90: {  	s2 =	sld [smem:$0x3FC9]  }
0x91: {  	s18 =	sld [smem:$0x3FC8]  }
0x92: {  	s4 =	sld [smem:$0x3FC7];
	(tm) =	ssettm $0x1  }
0x93: {  	s5 =	sld [smem:$0x3FFB];
	_ =	sdelay $0x3  }
0x94: {  	_ =	strace s5  }
0x95: {  	s5 =	sld [smem:$0x3FFC];
	_ =	sdelay $0x3  }
0x96: {  	_ =	strace s5  }
0x97: {  	s5 =	sld [smem:$0x3FFD];
	_ =	sdelay $0x3  }
0x98: {  	_ =	strace s5  }
0x99: {  	_ =	strace $0x8FFFFFFF  }
0x9a: {  	s19 =	sld [smem:$0x3FDB];
	_ =	sdelay $0x1  }
0x9b: {  	s6 =	simm.s32 $_scs_section_size  }
0x9c: {  	s7 =	simm.s32 $_size__tile_overlayer_lowered;
	s8 =	simm.s32 $_tile_overlayer_lowered  }
0x9d: {  	s22 =	simm.s32 $0x1BFF;
	s21 =	sshll.u32 s8, $0x1;
	s5 =	sadd.s32 s6, s19  }
0x9e: {  	s9 =	simm.s32 $0x0;
	s20 =	sshll.u32 s7, $0x1;
	s7 =	sadd.s32 s21, s5  }
0x9f: {  	[timem:s9], [sflag:s22] =	dma.local [hbm:s7], s20  }
0xa0: {  	_ =	swait.ge [sflag:s22], s20  }
0xa1: {  	s6 =	ssub.s32 $0x0, s20;
	[sflag:s22] =	ssyncset.done $0x0  }
0xa2: {  	[sflag:s22] =	ssyncadd.s32 s6;
	_ =	sdelay $0x1  }
0xa3: {  	s23 =	simm.s32 $0x1B8B  }
0xa4: {  	_ =	swait.ge [sflag:s23], $0x1  }
0xa5: {  	[sflag:s23] =	ssyncset.done $0x0  }
0xa6: {  	s25 =	simm.s32 $0x1B8E;
	s24 =	sld [smem:$0x3FFE];
	[sflag:s23] =	ssyncadd.s32 $0xFFFFFFFF  }
0xa7: {  	s26 =	simm.s32 $execute0_lowered;
	[smem:$0x3FD2] =	sst s25  }
0xa8: {  	s7 =	sshll.u32 s26, $0x1;
	_ =	strace $0x80000046;
	[dreg:$0x1] =	wrdreg $0xFFFFFFFF  }
0xa9: {  	s28 =	simm.s32 $_size_execute0_lowered;
	s5 =	sadd.s32 s5, s7;
	[dreg:$0x0] =	wrdreg $0x0  }
0xaa: {  	s7 =	sshll.u32 s28, $0x1;
	[dreg:$0x2] =	wrdreg s5  }
0xab: {  	[dreg:$0x3] =	wrdreg s7  }
0xac: {  	[dreg:$0x4] =	wrdreg $0xC0  }
0xad: {  	_ =	task [dreg:s9], $0x5FFFF  }
0xae: {  	[dreg:$0x1] =	wrdreg $0xFFFFFFFF  }
0xaf: {  	[dreg:$0x0] =	wrdreg $0x60  }
0xb0: {  	[dreg:$0x2] =	wrdreg s2  }
0xb1: {  	[dreg:$0x3] =	wrdreg s18  }
0xb2: {  	[dreg:$0x4] =	wrdreg s4  }
0xb3: {  	[dreg:$0x5] =	wrdreg s24  }
0xb4: {  	[dreg:$0x6] =	wrdreg $0x9  }
0xb5: {  	_ =	task.clear_ibuf [dreg:s9], $0x7FFFF;
	_ =	strace $0x90000046  }
0xb6: {  	s29 =	simm.s32 $0x9;
	_ =	strace $0x80000048  }
0xb7: {  	_ =	swait.ge [sflag:s29], $0x1  }
0xb8: {  	[sflag:s29] =	ssyncadd.s32 $0xFFFFFFFF  }
0xb9: {  	_ =	strace $0x90000048  }
0xba: {  	_ =	sfence  }
0xbb: {  	s30 =	sld [smem:$0x0];
	_ =	sdelay $0x2  }
0xbc: {  	s31 =	sshll.u32 s1, $0xD;
	s1 =	sshrl.u32 s1, $0x2  }
0xbd: {  	s3 =	sand.u32 $0x4000, s31;
	s1 =	sadd.s32 s1, s30  }
0xbe: {  	s0 =	sor.u32 s3, s0;
	s1 =	sshll.u32 s1, $0x11  }
0xbf: {  	s0 =	sor.u32 s1, s0  }
0xc0: {  	s0 =	sadd.s32 $0x8F2B, s0  }
0xc1: {  	[sflag:s0] =	ssyncadd.remote.s32 $0x1  }
0xc2: {  	_ =	sfence.sel $0xFFFF  }
0xc3: {  	[dreg:$0x0] =	wrdreg $0xFFFFFFFF;
	(pc) =	sbr.abs _section_cstart, $3  }
0xc4: {  	[dreg:$0x1] =	wrdreg $0xFFFFFFFF  }
0xc5: {  	_ =	task.clear_ibuf [dreg:s9], $0x2FFFF;
	_ =	strace $0x9FFFFFFF  }
0xc6: {  	(tm) =	ssettm $0x7FFFFFFF  }
0xc7: {  	_ =	shalt  }
tec
execute0_lowered:
.L_overlay_start_1:
0x0: {  	(tag) =	ssettag $0x1  }
0x1: {  	s0 =	rddreg [dreg:$0x0]  }
0x2: {  	s2 =	rddreg [dreg:$0x2]  }
0x3: {  	s1 =	rddreg [dreg:$0x3];
	s4 =	simm.s32 $0x0  }
0x4: {  	s9 =	stileid.u32;
	s3 =	srdreg.scid;
	s11 =	simm.s32 $0x2  }
0x5: {  	s17 =	simm.s32 $0x2900;
	s18 =	simm.s32 $0x3100;
	s19 =	simm.s32 $0x3900  }
0x6: {  	s20 =	simm.s32 $0x4100;
	s21 =	simm.s32 $0x4900;
	s28 =	simm.s32 $0x7900  }
0x7: {  	s29 =	simm.s32 $0x10300;
	s30 =	simm.s32 $0x3;
	s31 =	simm.s32 $0x0  }
0x8: {  	[smem:$0x7FF] =	sst s4;
	s5 =	sshll.u32 s9, $0x4;
	s3 =	sand.u32 $0x1, s3  }
0x9: {  	s26 =	sshll.u32 s9, $0x8;
	_ =	strace $0x80000047;
	s5 =	sand.u32 $0x70, s5  }
0xa: {  	s6 =	ssub.s32 $0x2, s3;
	s7 =	sshll.u32 s3, $0x4;
	s25 =	sshll.u32 s3, $0xC  }
0xb: {  	v0 =	vlaneseq.u32;
	s1 =	sadd.s32 s5, s1;
	s22 =	sshrl.u32 s6, $0x1;
	s7 =	sor.u32 s9, s7  }
0xc: {  	v2 =	vand.u32 $0x7, v0;
	v4 =	vshrl.u32 v0, $0x3;
	s9 =	sor.u32 s26, s25;
	s25 =	simm.s32 $0x6900;
	s26 =	simm.s32 $0x7100  }
0xd: {  	[tilespmem:$0x1FFD0] =	vst v2;
	v2 =	vmul.u32 $0x8, v4;
	s8 =	ssub.s32 s6, s22;
	s23 =	sshll.u32 s7, $0x5;
	s7 =	sshll.u32 s7, $0x4  }
0xe: {  	v1 =	vimm.s32 $0x2;
	s6 =	sadd.s32 $0x100, s2;
	s22 =	simm.s32 $0x5100;
	s24 =	sand.u32 $0x180, s7  }
0xf: {  	vm0 =	vmmov $0xffff;
	v6 =	vimm.s32 $0x1;
	[tilespmem:$0x1FFE0] =	vst v2;
	v2 =	vor.u32 $0x8, v0;
	s5 =	sadd.s32 s0, s23;
	s8 =	smax.u32 s8, $0x1;
	s0 =	sadd.s32 s24, s1  }
0x10: {  	v7 =	vimm.s32 $0x3;
	v12 =	vimm.s32 $0x0;
	v13 =	vadd.s32 $0x1, v0;
	[tilespmem:$0x1FFF0] =	vst v2;
	s23 =	simm.s32 $0x5900;
	s24 =	simm.s32 $0x6100;
	s7 =	sadd.s32 $0x400, s0  }
.LBB2_1:
0x11: {  	s0 =	rddreg [dreg:$0x1];
	s1 =	simm.s32 $0x10280  }
0x12: {  	[tilespmem:s1], [sflag:$0x2] =	stream.linear.gather [hbm4b:s0+s4], $0x9, $0x38;
	[tilespmem:$0x10380] =	vst v63  }
0x13: {  	_ = 	snop  }
0x14: {  	[tilespmem:s4], [sflag:$0x2] =	stream.linear.gather [hbm4b:s5+s4], $0x100, $0x38;
	[tilespmem:$0x10380] =	vst v63  }
0x15: {  	_ =	swait.ge [sflag:s11], $0x100  }
0x16: {  	[sflag:s11] =	ssyncset.done $0x0  }
0x17: {  	[sflag:s11] =	ssyncadd.s32 $0xFFFFFF00  }
0x18: {  	v14 =	vld [tilespmem:$0x0];
	_ =	sdelay $0x2  }
0x19: {  	v2 =	vld [tilespmem:$0x1FFD0];
	_ =	sdelay $0x1  }
0x1a: {  	v3 =	vld [tilespmem:$0x1FFE0];
	v15 =	vshll.u32 v14, $0x2  }
0x1b: {  	v14 =	vand.u32 $0x7, v14;
	v15 =	vand.u32 $0xFFFFFFE0, v15  }
0x1c: {  	v4 =	vld [tilespmem:$0x1FFF0];
	v14 =	vor.u32 v14, v15  }
0x1d: {  	v15 =	vperm.xlane v14, v2;
	_ =	sdelay $0x1  }
0x1e: {  	v15 =	vadd.s32 v3, v15;
	_ =	sdelay $0x1  }
0x1f: {  	v14 =	vperm.xlane v14, v4;
	_ =	sdelay $0x1  }
0x20: {  	s12 =	simm.s32 $0x100;
	v14 =	vadd.s32 v3, v14  }
0x21: {  	[tilespmem:s12], [sflag:$0x1] =	stream.indirect_vreg.gather [hbm4b:s2+s4], $0x80, v15, vm0, $0xb8;
	[tilespmem:$0x10380] =	vst v63  }
0x22: {  	s13 =	simm.s32 $0x900  }
0x23: {  	[tilespmem:s13], [sflag:$0x1] =	stream.indirect_vreg.gather [hbm4b:s6+s4], $0x80, v15, vm0, $0xb8;
	[tilespmem:$0x10380] =	vst v63  }
0x24: {  	s14 =	simm.s32 $0x1100  }
0x25: {  	[tilespmem:s14], [sflag:$0x1] =	stream.indirect_vreg.gather [hbm4b:s2+s4], $0x80, v14, vm0, $0xb8;
	[tilespmem:$0x10380] =	vst v63  }
0x26: {  	s15 =	simm.s32 $0x1900  }
0x27: {  	[tilespmem:s15], [sflag:$0x1] =	stream.indirect_vreg.gather [hbm4b:s6+s4], $0x80, v14, vm0, $0xb8;
	[tilespmem:$0x10380] =	vst v63  }
0x28: {  	v14 =	vld [tilespmem:$0x10];
	_ =	sdelay $0x4  }
0x29: {  	v15 =	vshll.u32 v14, $0x2  }
0x2a: {  	v14 =	vand.u32 $0x7, v14;
	v15 =	vand.u32 $0xFFFFFFE0, v15  }
0x2b: {  	v14 =	vor.u32 v14, v15  }
0x2c: {  	v15 =	vperm.xlane v14, v2;
	_ =	sdelay $0x1  }
0x2d: {  	v15 =	vadd.s32 v3, v15;
	_ =	sdelay $0x1  }
0x2e: {  	v14 =	vperm.xlane v14, v4;
	_ =	sdelay $0x1  }
0x2f: {  	s16 =	simm.s32 $0x2100;
	v14 =	vadd.s32 v3, v14  }
0x30: {  	[tilespmem:s16], [sflag:$0x1] =	stream.indirect_vreg.gather [hbm4b:s2+s4], $0x80, v15, vm0, $0xb8;
	[tilespmem:$0x10380] =	vst v63  }
0x31: {  	_ = 	snop  }
0x32: {  	[tilespmem:s17], [sflag:$0x1] =	stream.indirect_vreg.gather [hbm4b:s6+s4], $0x80, v15, vm0, $0xb8;
	[tilespmem:$0x10380] =	vst v63  }
0x33: {  	_ = 	snop  }
0x34: {  	[tilespmem:s18], [sflag:$0x1] =	stream.indirect_vreg.gather [hbm4b:s2+s4], $0x80, v14, vm0, $0xb8;
	[tilespmem:$0x10380] =	vst v63  }
0x35: {  	_ = 	snop  }
0x36: {  	[tilespmem:s19], [sflag:$0x1] =	stream.indirect_vreg.gather [hbm4b:s6+s4], $0x80, v14, vm0, $0xb8;
	[tilespmem:$0x10380] =	vst v63  }
0x37: {  	v14 =	vld [tilespmem:$0x20];
	_ =	sdelay $0x4  }
0x38: {  	v15 =	vshll.u32 v14, $0x2  }
0x39: {  	v14 =	vand.u32 $0x7, v14;
	v15 =	vand.u32 $0xFFFFFFE0, v15  }
0x3a: {  	v14 =	vor.u32 v14, v15  }
0x3b: {  	v15 =	vperm.xlane v14, v2;
	_ =	sdelay $0x1  }
0x3c: {  	v15 =	vadd.s32 v3, v15;
	_ =	sdelay $0x1  }
0x3d: {  	v14 =	vperm.xlane v14, v4;
	_ =	sdelay $0x1  }
0x3e: {  	v14 =	vadd.s32 v3, v14  }
0x3f: {  	[tilespmem:s20], [sflag:$0x1] =	stream.indirect_vreg.gather [hbm4b:s2+s4], $0x80, v15, vm0, $0xb8;
	[tilespmem:$0x10380] =	vst v63  }
0x40: {  	_ = 	snop  }
0x41: {  	[tilespmem:s21], [sflag:$0x1] =	stream.indirect_vreg.gather [hbm4b:s6+s4], $0x80, v15, vm0, $0xb8;
	[tilespmem:$0x10380] =	vst v63  }
0x42: {  	_ = 	snop  }
0x43: {  	[tilespmem:s22], [sflag:$0x1] =	stream.indirect_vreg.gather [hbm4b:s2+s4], $0x80, v14, vm0, $0xb8;
	[tilespmem:$0x10380] =	vst v63  }
0x44: {  	_ = 	snop  }
0x45: {  	[tilespmem:s23], [sflag:$0x1] =	stream.indirect_vreg.gather [hbm4b:s6+s4], $0x80, v14, vm0, $0xb8;
	[tilespmem:$0x10380] =	vst v63  }
0x46: {  	v14 =	vld [tilespmem:$0x30];
	_ =	sdelay $0x4  }
0x47: {  	v15 =	vshll.u32 v14, $0x2  }
0x48: {  	v14 =	vand.u32 $0x7, v14;
	v15 =	vand.u32 $0xFFFFFFE0, v15  }
0x49: {  	v14 =	vor.u32 v14, v15  }
0x4a: {  	v15 =	vperm.xlane v14, v2;
	_ =	sdelay $0x1  }
0x4b: {  	v15 =	vadd.s32 v3, v15;
	_ =	sdelay $0x1  }
0x4c: {  	v14 =	vperm.xlane v14, v4;
	_ =	sdelay $0x1  }
0x4d: {  	v14 =	vadd.s32 v3, v14  }
0x4e: {  	[tilespmem:s24], [sflag:$0x1] =	stream.indirect_vreg.gather [hbm4b:s2+s4], $0x80, v15, vm0, $0xb8;
	[tilespmem:$0x10380] =	vst v63  }
0x4f: {  	_ = 	snop  }
0x50: {  	[tilespmem:s25], [sflag:$0x1] =	stream.indirect_vreg.gather [hbm4b:s6+s4], $0x80, v15, vm0, $0xb8;
	[tilespmem:$0x10380] =	vst v63  }
0x51: {  	_ = 	snop  }
0x52: {  	[tilespmem:s26], [sflag:$0x1] =	stream.indirect_vreg.gather [hbm4b:s2+s4], $0x80, v14, vm0, $0xb8;
	[tilespmem:$0x10380] =	vst v63  }
0x53: {  	_ = 	snop  }
0x54: {  	[tilespmem:s28], [sflag:$0x1] =	stream.indirect_vreg.gather [hbm4b:s6+s4], $0x80, v14, vm0, $0xb8;
	[tilespmem:$0x10380] =	vst v63  }
0x55: {  	_ =	swait.ge [sflag:s11], $0x9  }
0x56: {  	[sflag:s11] =	ssyncset.done $0x0  }
0x57: {  	[sflag:s11] =	ssyncadd.s32 $0xFFFFFFF7  }
0x58: {  	v14 =	vld [tilespmem:$0x10280];
	_ =	sdelay $0x4  }
0x59: {  	p1 =	por $0x0, $0x0;
	v2 =	vimm.s32 $0x6;
	v15 =	vor.u32 s9, v0;
	v20 =	vperm.xlane v14, v6  }
.Ltmp0:
0x5a: {  	v19 =	vperm.xlane v14, v1;
	v22 =	vperm.xlane v14, v2;
	v2 =	vimm.s32 $0x4;
	(pc) =	sbr.rel @p1 .LBB2_2-.Ltmp0, $4  }
0x5b: {  	v21 =	vperm.xlane v14, v7;
	v23 =	vperm.xlane v14, v2;
	v2 =	vimm.s32 $0x5  }
0x5c: {  	v18 =	vperm.xlane v14, v2;
	v2 =	vimm.s32 $0x7;
	vm1 =	vle.s32 v22, v15  }
0x5d: {  	vm4 =	vle.s32 v20, v15;
	v17 =	vperm.xlane v14, v2;
	v2 =	vimm.s32 $0x8  }
0x5e: {  	p0 =	por $0x0, $0x0;
	s0 =	simm.s32 $0x40;
	vm3 =	vle.s32 v21, v15;
	vm2 =	vle.s32 v23, v15;
	v16 =	vperm.xlane v14, v2  }
0x5f: {  	vm5 =	vle.s32 v19, v15  }
0x60: {  	v24 =	vsel vm4, $0x1, v12;
	v25 =	vsel vm5, $0x1, v12  }
0x61: {  	v24 =	vadd.s32 v25, v24;
	v25 =	vsel vm3, $0x1, v12  }
0x62: {  	v24 =	vadd.s32 v25, v24;
	v25 =	vsel vm2, $0x1, v12;
	vm2 =	vle.s32 v18, v15  }
0x63: {  	v24 =	vadd.s32 v25, v24;
	v25 =	vsel vm2, $0x1, v12  }
0x64: {  	p1 =	por $0x0, $0x0;
	v24 =	vadd.s32 v25, v24;
	v25 =	vsel vm1, $0x1, v12;
	vm1 =	vle.s32 v17, v15  }
.Ltmp1:
0x65: {  	s1 =	sadd.s32 $0x10, s9;
	v25 =	vadd.s32 v25, v24;
	v26 =	vsel vm1, $0x1, v12;
	vm1 =	vle.s32 v16, v15;
	(pc) =	sbr.rel @p1 .LBB2_4-.Ltmp1, $4  }
0x66: {  	v24 =	vor.u32 s1, v0;
	v25 =	vadd.s32 v26, v25;
	v26 =	vsel vm1, $0x1, v12  }
0x67: {  	vm1 =	vle.s32 v22, v24;
	v26 =	vadd.s32 v26, v25  }
0x68: {  	s12 =	simm.s32 $0x80;
	vm2 =	vle.s32 v23, v24;
	v25 =	vperm.xlane v14, v26;
	v26 =	vadd.s32 $0x1, v26  }
0x69: {  	p0 =	por $0x1, $0x1;
	s10 =	smov.u32 s9;
	s3 =	simm.s32 $0x0;
	vm4 =	vle.s32 v20, v24;
	vm3 =	vle.s32 v21, v24;
	v26 =	vperm.xlane v14, v26  }
.LBB2_5:
0x6a: {  	p1 =	seq.s32 s12, $0x3C0;
	v27 =	vsel vm4, $0x1, v12;
	vm4 =	vle.s32 v19, v24;
	v25 =	vsub.s32 s10, v25;
	s10 =	smov.u32 s1  }
0x6b: {  	v28 =	vsel vm4, $0x1, v12;
	v25 =	vadd.s32 v13, v25;
	v26 =	vsub.s32 v26, v15;
	v15 =	vmovc v24  }
0x6c: {  	v24 =	vadd.s32 v28, v27;
	v27 =	vsel vm3, $0x1, v12;
	v25 =	vmul.u32 v25, v26  }
0x6d: {  	v26 =	vsel vm2, $0x1, v12;
	vm2 =	vle.s32 v18, v15;
	v24 =	vadd.s32 v27, v24  }
0x6e: {  	v24 =	vadd.s32 v26, v24;
	v26 =	vsel vm2, $0x1, v12;
	v25 =	vcvt.s32.f32 v25  }
0x6f: {  	s13 =	sshra.s32 s3, $0x2;
	s3 =	smov.u32 s0;
	s0 =	smov.u32 s12;
	v24 =	vadd.s32 v26, v24;
	v26 =	vsel vm1, $0x1, v12;
	vm1 =	vle.s32 v17, v15  }
.Ltmp2:
0x70: {  	s1 =	sadd.s32 $0x10, s1;
	v26 =	vadd.s32 v26, v24;
	v27 =	vsel vm1, $0x1, v12;
	vm1 =	vle.s32 v16, v15;
	[tilespmem:s13+$0x10100] =	vst v25;
	(pc) =	sbr.rel @!p1 .LBB2_5-.Ltmp2, $4  }
0x71: {  	v24 =	vor.u32 s1, v0;
	v25 =	vadd.s32 v27, v26;
	v26 =	vsel vm1, $0x1, v12  }
0x72: {  	vm1 =	vle.s32 v22, v24;
	v26 =	vadd.s32 v26, v25  }
0x73: {  	vm2 =	vle.s32 v23, v24;
	v25 =	vperm.xlane v14, v26;
	v26 =	vadd.s32 $0x1, v26  }
0x74: {  	s12 =	sadd.s32 $0x40, s12;
	vm4 =	vle.s32 v20, v24;
	vm3 =	vle.s32 v21, v24;
	v26 =	vperm.xlane v14, v26  }
.LBB2_6:
0x75: {  	vm5 =	vle.s32 v19, v24  }
0x76: {  	v53 =	vsel vm4, $0x1, v12;
	v20 =	vsel vm5, $0x1, v12  }
0x77: {  	v54 =	vsel vm3, $0x1, v12;
	v19 =	vadd.s32 v20, v53  }
0x78: {  	v55 =	vsel vm2, $0x1, v12;
	vm2 =	vle.s32 v18, v24;
	v19 =	vadd.s32 v54, v19  }
0x79: {  	v57 =	vsel vm2, $0x1, v12;
	v56 =	vadd.s32 v55, v19  }
0x7a: {  	v58 =	vsel vm1, $0x1, v12;
	vm1 =	vle.s32 v17, v24;
	v18 =	vadd.s32 v57, v56  }
0x7b: {  	v60 =	vsel vm1, $0x1, v12;
	vm1 =	vle.s32 v16, v24;
	v59 =	vadd.s32 v58, v18  }
0x7c: {  	v62 =	vsel vm1, $0x1, v12;
	v61 =	vadd.s32 v60, v59  }
0x7d: {  	v16 =	vadd.s32 v62, v61  }
0x7e: {  	v17 =	vperm.xlane v14, v16;
	v16 =	vadd.s32 $0x1, v16  }
0x7f: {  	v18 =	vsub.s32 @p0 s10, v25;
	v14 =	vperm.xlane v14, v16  }
0x80: {  	v15 =	vsub.s32 @p0 v26, v15;
	v16 =	vadd.s32 @p0 v13, v18;
	v17 =	vsub.s32 s1, v17  }
0x81: {  	v15 =	vmul.u32 @p0 v16, v15;
	v63 =	vadd.s32 v13, v17;
	v14 =	vsub.s32 v14, v24  }
0x82: {  	v14 =	vmul.u32 v63, v14  }
0x83: {  	v15 =	vcvt.s32.f32 @p0 v15  }
0x84: {  	s1 =	sshra.s32 @p0 s3, $0x2;
	v16 =	vcvt.s32.f32 v14  }
0x85: {  	s0 =	sshra.s32 s0, $0x2;
	v4 =	vimm.f32 $0.0e+00;
	[tilespmem:s1+$0x10100] =	vst @p0 v15  }
0x86: {  	s12 =	simm.s32 $0x10100;
	v2 =	vimm.f32 $0.0e+00;
	v3 =	vimm.f32 $0.0e+00;
	v5 =	vimm.f32 $0.0e+00;
	[tilespmem:s0+$0x10100] =	vst v16;
	s0 =	simm.s32 $0x0  }
.LBB2_8:
0x87: {  	p0 =	seq.s32 s0, $0x3  }
.Ltmp3:
0x88: {  	_ = 	snop;
	(pc) =	sbr.rel @p0 .LBB2_10-.Ltmp3, $4  }
0x89: {  	[tilespmem:$0x1FF90] =	vst v5  }
0x8a: {  	[tilespmem:$0x1FFA0] =	vst v3  }
0x8b: {  	[tilespmem:$0x1FFB0] =	vst v2  }
0x8c: {  	[tilespmem:$0x1FFC0] =	vst v4;
	s3 =	sadd.s32 $0x1, s0  }
0x8d: {  	s1 =	sshll.u32 s3, $0x6  }
0x8e: {  	s1 =	sand.u32 $0x3FFFFFC0, s1  }
0x8f: {  	v18 =	vld [tilespmem:s1+$0x0];
	_ =	sdelay $0x2  }
0x90: {  	v0 =	vld [tilespmem:$0x1FFD0];
	_ =	sdelay $0x1  }
0x91: {  	v2 =	vld [tilespmem:$0x1FFE0];
	v19 =	vshll.u32 v18, $0x2  }
0x92: {  	v18 =	vand.u32 $0x7, v18;
	v19 =	vand.u32 $0xFFFFFFE0, v19  }
0x93: {  	v3 =	vld [tilespmem:$0x1FFF0];
	v18 =	vor.u32 v18, v19  }
0x94: {  	v19 =	vperm.xlane v18, v0;
	_ =	sdelay $0x1  }
0x95: {  	v19 =	vadd.s32 v2, v19;
	_ =	sdelay $0x1  }
0x96: {  	s10 =	sand.u32 $0x1, s3;
	v18 =	vperm.xlane v18, v3  }
0x97: {  	s13 =	sshll.u32 s10, $0xF  }
0x98: {  	s10 =	sadd.s32 $0x1, s10;
	s14 =	sor.u32 $0x100, s13;
	v18 =	vadd.s32 v2, v18  }
0x99: {  	[tilespmem:s14], [sflag:s10] =	stream.indirect_vreg.gather [hbm4b:s2+s4], $0x80, v19, vm0, $0xb8;
	[tilespmem:$0x10380] =	vst v63  }
0x9a: {  	s15 =	sor.u32 $0x900, s13  }
0x9b: {  	[tilespmem:s15], [sflag:s10] =	stream.indirect_vreg.gather [hbm4b:s6+s4], $0x80, v19, vm0, $0xb8;
	[tilespmem:$0x10380] =	vst v63  }
0x9c: {  	s16 =	sor.u32 $0x1100, s13  }
0x9d: {  	[tilespmem:s16], [sflag:s10] =	stream.indirect_vreg.gather [hbm4b:s2+s4], $0x80, v18, vm0, $0xb8;
	[tilespmem:$0x10380] =	vst v63  }
0x9e: {  	s15 =	sor.u32 $0x1900, s13  }
0x9f: {  	[tilespmem:s15], [sflag:s10] =	stream.indirect_vreg.gather [hbm4b:s6+s4], $0x80, v18, vm0, $0xb8;
	[tilespmem:$0x10380] =	vst v63  }
0xa0: {  	v18 =	vld [tilespmem:s1+$0x10];
	_ =	sdelay $0x4  }
0xa1: {  	v61 =	vshll.u32 v18, $0x2  }
0xa2: {  	v18 =	vand.u32 $0x7, v18;
	v19 =	vand.u32 $0xFFFFFFE0, v61  }
0xa3: {  	v18 =	vor.u32 v18, v19  }
0xa4: {  	v19 =	vperm.xlane v18, v0;
	_ =	sdelay $0x1  }
0xa5: {  	v19 =	vadd.s32 v2, v19;
	_ =	sdelay $0x1  }
0xa6: {  	v18 =	vperm.xlane v18, v3;
	_ =	sdelay $0x1  }
0xa7: {  	s16 =	sor.u32 $0x2100, s13;
	v18 =	vadd.s32 v2, v18  }
0xa8: {  	[tilespmem:s16], [sflag:s10] =	stream.indirect_vreg.gather [hbm4b:s2+s4], $0x80, v19, vm0, $0xb8;
	[tilespmem:$0x10380] =	vst v63  }
0xa9: {  	s15 =	sor.u32 $0x2900, s13  }
0xaa: {  	[tilespmem:s15], [sflag:s10] =	stream.indirect_vreg.gather [hbm4b:s6+s4], $0x80, v19, vm0, $0xb8;
	[tilespmem:$0x10380] =	vst v63  }
0xab: {  	s16 =	sor.u32 $0x3100, s13  }
0xac: {  	[tilespmem:s16], [sflag:s10] =	stream.indirect_vreg.gather [hbm4b:s2+s4], $0x80, v18, vm0, $0xb8;
	[tilespmem:$0x10380] =	vst v63  }
0xad: {  	s15 =	sor.u32 $0x3900, s13  }
0xae: {  	[tilespmem:s15], [sflag:s10] =	stream.indirect_vreg.gather [hbm4b:s6+s4], $0x80, v18, vm0, $0xb8;
	[tilespmem:$0x10380] =	vst v63  }
0xaf: {  	v18 =	vld [tilespmem:s1+$0x20];
	_ =	sdelay $0x4  }
0xb0: {  	v62 =	vshll.u32 v18, $0x2  }
0xb1: {  	v18 =	vand.u32 $0x7, v18;
	v19 =	vand.u32 $0xFFFFFFE0, v62  }
0xb2: {  	v18 =	vor.u32 v18, v19  }
0xb3: {  	v19 =	vperm.xlane v18, v0;
	_ =	sdelay $0x1  }
0xb4: {  	v19 =	vadd.s32 v2, v19;
	_ =	sdelay $0x1  }
0xb5: {  	v18 =	vperm.xlane v18, v3;
	_ =	sdelay $0x1  }
0xb6: {  	s16 =	sor.u32 $0x4100, s13;
	v18 =	vadd.s32 v2, v18  }
0xb7: {  	[tilespmem:s16], [sflag:s10] =	stream.indirect_vreg.gather [hbm4b:s2+s4], $0x80, v19, vm0, $0xb8;
	[tilespmem:$0x10380] =	vst v63  }
0xb8: {  	s15 =	sor.u32 $0x4900, s13  }
0xb9: {  	[tilespmem:s15], [sflag:s10] =	stream.indirect_vreg.gather [hbm4b:s6+s4], $0x80, v19, vm0, $0xb8;
	[tilespmem:$0x10380] =	vst v63  }
0xba: {  	s16 =	sor.u32 $0x5100, s13  }
0xbb: {  	[tilespmem:s16], [sflag:s10] =	stream.indirect_vreg.gather [hbm4b:s2+s4], $0x80, v18, vm0, $0xb8;
	[tilespmem:$0x10380] =	vst v63  }
0xbc: {  	s15 =	sor.u32 $0x5900, s13  }
0xbd: {  	[tilespmem:s15], [sflag:s10] =	stream.indirect_vreg.gather [hbm4b:s6+s4], $0x80, v18, vm0, $0xb8;
	[tilespmem:$0x10380] =	vst v63  }
0xbe: {  	v18 =	vld [tilespmem:s1+$0x30];
	_ =	sdelay $0x4  }
0xbf: {  	v63 =	vshll.u32 v18, $0x2  }
0xc0: {  	v18 =	vand.u32 $0x7, v18;
	v19 =	vand.u32 $0xFFFFFFE0, v63  }
0xc1: {  	v18 =	vor.u32 v18, v19  }
0xc2: {  	v19 =	vperm.xlane v18, v0;
	_ =	sdelay $0x1  }
0xc3: {  	v19 =	vadd.s32 v2, v19;
	_ =	sdelay $0x1  }
0xc4: {  	v18 =	vperm.xlane v18, v3;
	_ =	sdelay $0x1  }
0xc5: {  	s16 =	sor.u32 $0x6100, s13;
	v18 =	vadd.s32 v2, v18  }
0xc6: {  	[tilespmem:s16], [sflag:s10] =	stream.indirect_vreg.gather [hbm4b:s2+s4], $0x80, v19, vm0, $0xb8;
	[tilespmem:$0x10380] =	vst v63  }
0xc7: {  	s14 =	sor.u32 $0x6900, s13  }
0xc8: {  	[tilespmem:s14], [sflag:s10] =	stream.indirect_vreg.gather [hbm4b:s6+s4], $0x80, v19, vm0, $0xb8;
	[tilespmem:$0x10380] =	vst v63  }
0xc9: {  	s15 =	sor.u32 $0x7100, s13  }
0xca: {  	[tilespmem:s15], [sflag:s10] =	stream.indirect_vreg.gather [hbm4b:s2+s4], $0x80, v18, vm0, $0xb8;
	[tilespmem:$0x10380] =	vst v63  }
0xcb: {  	s16 =	sor.u32 $0x7900, s13  }
0xcc: {  	[tilespmem:s16], [sflag:s10] =	stream.indirect_vreg.gather [hbm4b:s6+s4], $0x80, v18, vm0, $0xb8;
	[tilespmem:$0x10380] =	vst v63  }
.LBB2_10:
0xcd: {  	s0 =	sand.u32 $0x1, s0  }
0xce: {  	s13 =	simm.s32 $0x0;
	s10 =	sadd.s32 $0x1, s0;
	s0 =	sshll.u32 s0, $0xF  }
0xcf: {  	s15 =	sand.u32 $0x7000, s13;
	_ =	swait.ge [sflag:s10], $0x8000;
	s1 =	sor.u32 $0x100, s0  }
0xd0: {  	s13 =	sand.u32 $0x200, s13;
	[sflag:s10] =	ssyncset.done $0x0;
	s0 =	sadd.s32 s15, s1  }
0xd1: {  	[sflag:s10] =	ssyncadd.s32 $0xFFFF8000;
	s0 =	sadd.s32 s13, s0  }
0xd2: {  	v0 =	vld [tilespmem:s0+$0xDC0]  }
0xd3: {  	v25 =	vld [tilespmem:s0+$0x980]  }
0xd4: {  	v26 =	vld [tilespmem:s0+$0x990]  }
0xd5: {  	v27 =	vld [tilespmem:s0+$0x5C0]  }
0xd6: {  	v28 =	vld [tilespmem:s0+$0x5D0]  }
0xd7: {  	v29 =	vld [tilespmem:s0+$0x580]  }
0xd8: {  	v30 =	vld [tilespmem:s0+$0x590]  }
0xd9: {  	v31 =	vld [tilespmem:s0+$0x180]  }
0xda: {  	v32 =	vld [tilespmem:s0+$0x190]  }
0xdb: {  	v33 =	vld [tilespmem:s0+$0x1A0]  }
0xdc: {  	v34 =	vld [tilespmem:s0+$0x1B0]  }
0xdd: {  	v35 =	vld [tilespmem:s0+$0x1C0]  }
0xde: {  	v36 =	vld [tilespmem:s0+$0x1D0]  }
0xdf: {  	v37 =	vld [tilespmem:s0+$0x1E0]  }
0xe0: {  	v38 =	vld [tilespmem:s0+$0x1F0]  }
0xe1: {  	v39 =	vld [tilespmem:s0+$0x5A0]  }
0xe2: {  	v40 =	vld [tilespmem:s0+$0x5B0]  }
0xe3: {  	v41 =	vld [tilespmem:s0+$0x5E0]  }
0xe4: {  	v42 =	vld [tilespmem:s0+$0x5F0]  }
0xe5: {  	v43 =	vld [tilespmem:s0+$0x9A0]  }
0xe6: {  	v44 =	vld [tilespmem:s0+$0x9B0]  }
0xe7: {  	v45 =	vld [tilespmem:s0+$0x9E0]  }
0xe8: {  	v46 =	vld [tilespmem:s0+$0x9F0]  }
0xe9: {  	v47 =	vld [tilespmem:s0+$0xDA0]  }
0xea: {  	v48 =	vld [tilespmem:s0+$0xDB0]  }
0xeb: {  	v49 =	vld [tilespmem:s0+$0xDE0]  }
0xec: {  	v50 =	vld [tilespmem:s0+$0xDF0]  }
0xed: {  	v55 =	vld [tilespmem:s0+$0x40]  }
0xee: {  	v56 =	vld [tilespmem:s0+$0x50]  }
0xef: {  	v57 =	vld [tilespmem:s0+$0x60]  }
0xf0: {  	v58 =	vld [tilespmem:s0+$0x70]  }
0xf1: {  	v59 =	vld [tilespmem:s0+$0x80]  }
0xf2: {  	v60 =	vld [tilespmem:s0+$0x90]  }
0xf3: {  	v61 =	vld [tilespmem:s0+$0xA0]  }
0xf4: {  	v62 =	vld [tilespmem:s0+$0xB0]  }
0xf5: {  	v63 =	vld [tilespmem:s0+$0xC0]  }
0xf6: {  	v3 =	vld [tilespmem:s0+$0xD0]  }
0xf7: {  	v8 =	vld [tilespmem:s0+$0xE0]  }
0xf8: {  	v9 =	vld [tilespmem:s0+$0xF0]  }
0xf9: {  	v10 =	vld [tilespmem:s0+$0x100]  }
0xfa: {  	v11 =	vld [tilespmem:s0+$0x110]  }
0xfb: {  	v21 =	vld [tilespmem:s0+$0x120]  }
0xfc: {  	v22 =	vld [tilespmem:s0+$0x130]  }
0xfd: {  	v4 =	vld [tilespmem:s0+$0x140]  }
0xfe: {  	v14 =	vld [tilespmem:s0+$0x150]  }
0xff: {  	v17 =	vld [tilespmem:s0+$0x160]  }
0x100: {  	v16 =	vld [tilespmem:s0+$0x170]  }
0x101: {  	v15 =	vld [tilespmem:s0+$0x400]  }
0x102: {  	v2 =	vld [tilespmem:s0+$0x420]  }
0x103: {  	v5 =	vld [tilespmem:s0+$0x430]  }
0x104: {  	v19 =	vld [tilespmem:s0+$0x480]  }
0x105: {  	v20 =	vld [tilespmem:s0+$0x490]  }
0x106: {  	v23 =	vld [tilespmem:s0+$0x4A0]  }
0x107: {  	v24 =	vld [tilespmem:s0+$0x4B0]  }
0x108: {  	v53 =	vld [tilespmem:s0+$0x520]  }
0x109: {  	v51 =	vld [tilespmem:s0+$0x500]  }
0x10a: {  	v52 =	vld [tilespmem:s0+$0x510]  }
0x10b: {  	v54 =	vld [tilespmem:s0+$0x530]  }
0x10c: {  	[tilespmem:$0x1FEB0] =	vst v0;
	v0 =	vld [tilespmem:s0+$0xDD0]  }
0x10d: {  	[tilespmem:$0x1FF10] =	vst v53;
	v53 =	vld [tilespmem:s0+$0x440]  }
0x10e: {  	v31 =	vadd.f32 v35, v31;
	v35 =	vld [tilespmem:s0+$0x540]  }
0x10f: {  	v32 =	vadd.f32 v36, v32;
	v36 =	vld [tilespmem:s0+$0x550]  }
0x110: {  	v33 =	vadd.f32 v37, v33;
	v37 =	vld [tilespmem:s0+$0x880]  }
0x111: {  	v34 =	vadd.f32 v38, v34;
	v38 =	vld [tilespmem:s0+$0x890]  }
0x112: {  	v9 =	vadd.f32 v9, v62;
	v62 =	vadd.f32 v14, v11;
	v11 =	vld [tilespmem:s0+$0x8E0]  }
0x113: {  	v14 =	vadd.f32 v17, v21;
	v17 =	vld [tilespmem:s0+$0x8F0]  }
0x114: {  	v21 =	vld [tilespmem:s0+$0x940]  }
0x115: {  	v16 =	vadd.f32 v16, v22;
	v22 =	vld [tilespmem:s0+$0x950]  }
0x116: {  	v63 =	vadd.f32 v63, v59;
	v59 =	vld [tilespmem:s0+$0xC90]  }
0x117: {  	v3 =	vadd.f32 v3, v60;
	v60 =	vld [tilespmem:s0+$0xCA0]  }
0x118: {  	v8 =	vadd.f32 v8, v61;
	v61 =	vld [tilespmem:s0+$0xD20]  }
0x119: {  	v29 =	vadd.f32 v29, v31;
	v31 =	vld [tilespmem:s0+$0x560]  }
0x11a: {  	v40 =	vadd.f32 v40, v34;
	v34 =	vld [tilespmem:s0+$0x570]  }
0x11b: {  	v39 =	vadd.f32 v39, v33;
	v33 =	vld [tilespmem:s0+$0x810]  }
0x11c: {  	v30 =	vadd.f32 v30, v32;
	v32 =	vld [tilespmem:s0+$0x830]  }
0x11d: {  	v3 =	vadd.f32 v20, v3;
	v20 =	vld [tilespmem:s0+$0x960]  }
0x11e: {  	[tilespmem:$0x1FEC0] =	vst v0;
	v0 =	vld [tilespmem:s0+$0xD80]  }
0x11f: {  	v8 =	vadd.f32 v23, v8;
	v23 =	vld [tilespmem:s0+$0x970]  }
0x120: {  	v9 =	vadd.f32 v24, v9;
	v24 =	vld [tilespmem:s0+$0xC00]  }
0x121: {  	v4 =	vadd.f32 v4, v10;
	v10 =	vadd.f32 v52, v62;
	v62 =	vld [tilespmem:s0+$0xD30]  }
0x122: {  	v27 =	vadd.f32 v27, v29;
	v29 =	vld [tilespmem:s0+$0x800]  }
0x123: {  	[tilespmem:$0x1FE90] =	vst v0;
	v0 =	vld [tilespmem:s0+$0xD90]  }
0x124: {  	v28 =	vadd.f32 v28, v30;
	v30 =	vadd.f32 v41, v39;
	v39 =	vld [tilespmem:s0+$0x8A0]  }
0x125: {  	[tilespmem:$0x1FF20] =	vst v53;
	v53 =	vld [tilespmem:s0+$0x450]  }
0x126: {  	v42 =	vadd.f32 v42, v40;
	v40 =	vld [tilespmem:s0+$0x8B0]  }
0x127: {  	v41 =	vld [tilespmem:s0+$0x900]  }
0x128: {  	[tilespmem:$0x1FEA0] =	vst v0;
	v0 =	vld [tilespmem:s0+$0x9C0]  }
0x129: {  	v25 =	vadd.f32 v25, v27;
	v27 =	vld [tilespmem:s0+$0x820]  }
0x12a: {  	v26 =	vadd.f32 v26, v28;
	v28 =	vadd.f32 v43, v30;
	[tilespmem:$0x1FF30] =	vst v53;
	v53 =	vld [tilespmem:s0+$0x460]  }
0x12b: {  	v30 =	vadd.f32 v44, v42;
	v42 =	vld [tilespmem:s0+$0x910]  }
0x12c: {  	v19 =	vadd.f32 v19, v63;
	v63 =	vld [tilespmem:$0x1FF20];
	v28 =	vadd.f32 v45, v28  }
0x12d: {  	[tilespmem:$0x1FE70] =	vst v0;
	v0 =	vld [tilespmem:s0+$0x9D0]  }
0x12e: {  	v30 =	vadd.f32 v46, v30;
	v28 =	vadd.f32 v47, v28;
	v47 =	vld [tilespmem:$0x1FEB0]  }
0x12f: {  	[tilespmem:$0x1FF40] =	vst v53;
	v53 =	vld [tilespmem:s0+$0x470]  }
0x130: {  	v30 =	vadd.f32 v48, v30;
	v48 =	vld [tilespmem:$0x1FEC0]  }
0x131: {  	v45 =	vld [tilespmem:$0x1FE90]  }
0x132: {  	v43 =	vld [tilespmem:$0x1FE70];
	[tilespmem:$0x1FE80] =	vst v0  }
0x133: {  	v44 =	vld [tilespmem:$0x1FE80]  }
0x134: {  	[tilespmem:$0x1FF50] =	vst v53;
	v53 =	vld [tilespmem:s0+$0x4C0]  }
0x135: {  	v46 =	vld [tilespmem:$0x1FEA0]  }
0x136: {  	v28 =	vadd.f32 v49, v28;
	v49 =	vld [tilespmem:s0+$0x870]  }
0x137: {  	v30 =	vadd.f32 v50, v30;
	v50 =	vld [tilespmem:$0x1FF40]  }
0x138: {  	v0 =	vld [tilespmem:s0+$0x0];
	v25 =	vadd.f32 v43, v25;
	v26 =	vadd.f32 v44, v26  }
0x139: {  	v4 =	vadd.f32 v51, v4;
	[tilespmem:$0x1FF60] =	vst v53;
	v53 =	vld [tilespmem:s0+$0x4D0]  }
0x13a: {  	v51 =	vld [tilespmem:$0x1FF50];
	v25 =	vadd.f32 v45, v25;
	v26 =	vadd.f32 v46, v26  }
0x13b: {  	v43 =	vld [tilespmem:s0+$0x920]  }
0x13c: {  	v52 =	vld [tilespmem:$0x1FF60];
	v25 =	vadd.f32 v47, v25;
	v26 =	vadd.f32 v48, v26  }
0x13d: {  	[tilespmem:$0x1FED0] =	vst v0;
	v0 =	vld [tilespmem:s0+$0x10]  }
0x13e: {  	[tilespmem:$0x1FF70] =	vst v53;
	v53 =	vld [tilespmem:s0+$0x4E0];
	v25 =	vadd.f32 v26, v25;
	v26 =	vadd.f32 v30, v28  }
0x13f: {  	v44 =	vld [tilespmem:s0+$0x840]  }
0x140: {  	v28 =	vadd.f32 v26, v25;
	v26 =	vld [tilespmem:$0x1FED0]  }
0x141: {  	v16 =	vadd.f32 v54, v16;
	v54 =	vld [tilespmem:$0x1FF70]  }
0x142: {  	[tilespmem:$0x1FEE0] =	vst v0;
	v0 =	vld [tilespmem:s0+$0x20]  }
0x143: {  	v4 =	vadd.f32 v35, v4;
	v46 =	vld [tilespmem:s0+$0x860]  }
0x144: {  	v10 =	vadd.f32 v36, v10;
	[tilespmem:$0x1FF80] =	vst v53;
	v53 =	vld [tilespmem:s0+$0x4F0]  }
0x145: {  	v4 =	vadd.f32 v41, v4;
	v26 =	vadd.f32 v55, v26;
	v55 =	vld [tilespmem:$0x1FEE0]  }
0x146: {  	v10 =	vadd.f32 v42, v10;
	v30 =	vld [tilespmem:s0+$0x930]  }
0x147: {  	v16 =	vadd.f32 v34, v16;
	v4 =	vadd.f32 v21, v4;
	[tilespmem:$0x1FEF0] =	vst v0;
	v0 =	vld [tilespmem:s0+$0x30]  }
0x148: {  	v10 =	vadd.f32 v22, v10;
	v19 =	vadd.f32 v52, v19;
	v25 =	vld [tilespmem:s0+$0x850]  }
0x149: {  	v9 =	vadd.f32 v53, v9;
	v15 =	vadd.f32 v15, v26;
	v26 =	vld [tilespmem:$0x1FF10]  }
0x14a: {  	v3 =	vadd.f32 v54, v3;
	v45 =	vadd.f32 v56, v55;
	v56 =	vld [tilespmem:$0x1FEF0]  }
0x14b: {  	v9 =	vadd.f32 v40, v9;
	v16 =	vadd.f32 v30, v16;
	v30 =	vld [tilespmem:s0+$0xC50]  }
0x14c: {  	v19 =	vadd.f32 v37, v19;
	[tilespmem:$0x1FF00] =	vst v0;
	v0 =	vld [tilespmem:s0+$0x410];
	v15 =	vadd.f32 v63, v15  }
0x14d: {  	v3 =	vadd.f32 v38, v3;
	v9 =	vadd.f32 v17, v9;
	v55 =	vld [tilespmem:s0+$0x8C0]  }
0x14e: {  	v16 =	vadd.f32 v23, v16;
	v15 =	vadd.f32 v29, v15;
	v29 =	vld [tilespmem:s0+$0xD00]  }
0x14f: {  	v14 =	vadd.f32 v26, v14;
	v47 =	vadd.f32 v57, v56;
	v57 =	vld [tilespmem:$0x1FF00]  }
0x150: {  	v16 =	vadd.f32 v62, v16;
	v63 =	vld [tilespmem:s0+$0xC40];
	v15 =	vadd.f32 v44, v15  }
0x151: {  	v0 =	vadd.f32 v0, v45;
	v14 =	vadd.f32 v31, v14;
	v31 =	vld [tilespmem:s0+$0xCB0]  }
0x152: {  	v56 =	vld [tilespmem:s0+$0x8D0];
	v19 =	vadd.f32 v55, v19;
	v15 =	vadd.f32 v24, v15  }
0x153: {  	v45 =	vld [tilespmem:s0+$0xC20];
	v14 =	vadd.f32 v43, v14;
	v4 =	vadd.f32 v29, v4  }
0x154: {  	v55 =	vld [tilespmem:s0+$0xD40];
	v2 =	vadd.f32 v2, v47;
	v48 =	vadd.f32 v58, v57  }
0x155: {  	v15 =	vadd.f32 v63, v15;
	v14 =	vadd.f32 v20, v14;
	v58 =	vld [tilespmem:$0x1FF80]  }
0x156: {  	v2 =	vadd.f32 v50, v2;
	v5 =	vadd.f32 v5, v48;
	v48 =	vld [tilespmem:$0x1FF30]  }
0x157: {  	v9 =	vadd.f32 v31, v9;
	v57 =	vld [tilespmem:s0+$0xC80];
	v3 =	vadd.f32 v56, v3  }
0x158: {  	v26 =	vld [tilespmem:s0+$0xC10];
	v14 =	vadd.f32 v61, v14;
	v2 =	vadd.f32 v27, v2  }
0x159: {  	v4 =	vadd.f32 v55, v4;
	v27 =	vld [tilespmem:s0+$0xD10];
	v3 =	vadd.f32 v59, v3  }
0x15a: {  	v47 =	vld [tilespmem:s0+$0xC30];
	v2 =	vadd.f32 v46, v2;
	v5 =	vadd.f32 v51, v5  }
0x15b: {  	v56 =	vld [tilespmem:s0+$0xD50];
	v8 =	vadd.f32 v58, v8;
	v0 =	vadd.f32 v48, v0  }
0x15c: {  	v2 =	vadd.f32 v45, v2;
	v19 =	vadd.f32 v57, v19;
	v57 =	vld [tilespmem:s0+$0xD60]  }
0x15d: {  	v31 =	vld [tilespmem:s0+$0xD70];
	v5 =	vadd.f32 v32, v5;
	v0 =	vadd.f32 v33, v0  }
0x15e: {  	v51 =	vld [tilespmem:s0+$0xC70];
	v10 =	vadd.f32 v27, v10;
	v8 =	vadd.f32 v39, v8  }
0x15f: {  	v5 =	vadd.f32 v49, v5;
	v0 =	vadd.f32 v25, v0;
	v25 =	vld [tilespmem:s0+$0xC60]  }
0x160: {  	v18 =	vld [tilespmem:s12+$0x0];
	v58 =	vadd.f32 v56, v10;
	v8 =	vadd.f32 v11, v8  }
0x161: {  	v52 =	vld [tilespmem:s0+$0xCC0];
	v5 =	vadd.f32 v47, v5;
	v59 =	vadd.f32 v57, v14  }
0x162: {  	v53 =	vld [tilespmem:s0+$0xCD0];
	v8 =	vadd.f32 v60, v8;
	v0 =	vadd.f32 v26, v0  }
0x163: {  	v54 =	vld [tilespmem:s0+$0xCF0];
	v60 =	vadd.f32 v31, v16;
	v5 =	vadd.f32 v51, v5  }
0x164: {  	v17 =	vld [tilespmem:s0+$0xCE0];
	v0 =	vadd.f32 v30, v0;
	v2 =	vadd.f32 v25, v2  }
0x165: {  	v4 =	vadd.f32 v58, v4;
	v61 =	vadd.f32 v60, v59  }
0x166: {  	v0 =	vadd.f32 v0, v15;
	v2 =	vadd.f32 v5, v2  }
0x167: {  	s16 =	simm.s32 $0x800;
	v3 =	vadd.f32 v53, v3;
	v4 =	vadd.f32 v61, v4  }
0x168: {  	s10 =	sand.u32 $0x7000, s16;
	s13 =	simm.s32 $0x200;
	v15 =	vadd.f32 v52, v19;
	v0 =	vadd.f32 v2, v0;
	v2 =	vperm.xlane v18, v1  }
0x169: {  	s14 =	sand.u32 $0x200, s13;
	s10 =	sadd.s32 s10, s1;
	v5 =	vadd.f32 v17, v8;
	v8 =	vadd.f32 v54, v9  }
0x16a: {  	s10 =	sadd.s32 s14, s10;
	v2 =	vmul.f32 v4, v2;
	v4 =	vld [tilespmem:$0x1FFC0]  }
0x16b: {  	v34 =	vld [tilespmem:s10+$0x1C0];
	v62 =	vperm.xlane v18, v7;
	v3 =	vadd.f32 v3, v15;
	v5 =	vadd.f32 v8, v5  }
0x16c: {  	v21 =	vld [tilespmem:s10+$0xDC0]  }
0x16d: {  	v22 =	vld [tilespmem:s10+$0xDD0];
	v3 =	vadd.f32 v5, v3;
	v5 =	vmul.f32 v28, v62  }
0x16e: {  	v23 =	vld [tilespmem:s10+$0xD80]  }
0x16f: {  	v14 =	vadd.f32 v5, v4;
	v4 =	vld [tilespmem:$0x1FF90]  }
0x170: {  	v24 =	vld [tilespmem:s10+$0xD90];
	v8 =	vperm.xlane v18, v12  }
0x171: {  	v29 =	vld [tilespmem:s10+$0x5D0]  }
0x172: {  	v20 =	vld [tilespmem:s10+$0x9C0];
	v0 =	vmul.f32 v0, v8  }
0x173: {  	v27 =	vld [tilespmem:s10+$0x990]  }
0x174: {  	v15 =	vadd.f32 v0, v4;
	v0 =	vld [tilespmem:$0x1FFA0]  }
0x175: {  	v63 =	vperm.xlane v18, v6;
	v32 =	vld [tilespmem:s10+$0x1A0]  }
0x176: {  	v33 =	vld [tilespmem:s10+$0x1B0]  }
0x177: {  	v31 =	vld [tilespmem:s10+$0x590];
	v3 =	vmul.f32 v3, v63  }
0x178: {  	v26 =	vld [tilespmem:s10+$0x980]  }
0x179: {  	v16 =	vadd.f32 v3, v0;
	v0 =	vld [tilespmem:$0x1FFB0]  }
0x17a: {  	v30 =	vld [tilespmem:s10+$0x580]  }
0x17b: {  	v25 =	vld [tilespmem:s10+$0x9D0]  }
0x17c: {  	v19 =	vld [tilespmem:s10+$0x5C0]  }
0x17d: {  	v18 =	vld [tilespmem:s10+$0x180]  }
0x17e: {  	s14 =	simm.s32 $0x1000;
	s0 =	smov.u32 s12;
	v28 =	vld [tilespmem:s10+$0x190];
	v17 =	vadd.f32 v2, v0  }
.LBB2_11:
0x17f: {  	p0 =	seq.s32 s14, $0x7800;
	v0 =	vld [tilespmem:s10+$0x1D0]  }
0x180: {  	v2 =	vld [tilespmem:s10+$0x1E0]  }
0x181: {  	v3 =	vld [tilespmem:s10+$0x1F0]  }
0x182: {  	v4 =	vld [tilespmem:s10+$0x5A0]  }
0x183: {  	v5 =	vld [tilespmem:s10+$0x5B0]  }
0x184: {  	v8 =	vld [tilespmem:s10+$0x5E0]  }
0x185: {  	v9 =	vadd.f32 v34, v18;
	v0 =	vadd.f32 v0, v28;
	v10 =	vld [tilespmem:s10+$0x5F0]  }
0x186: {  	v2 =	vadd.f32 v2, v32;
	v3 =	vadd.f32 v3, v33;
	v11 =	vld [tilespmem:s10+$0x9A0]  }
0x187: {  	v9 =	vadd.f32 v30, v9;
	v0 =	vadd.f32 v31, v0;
	v18 =	vld [tilespmem:s10+$0x9B0]  }
0x188: {  	v2 =	vadd.f32 v4, v2;
	v3 =	vadd.f32 v5, v3;
	v4 =	vld [tilespmem:s10+$0x9E0]  }
0x189: {  	v5 =	vadd.f32 v19, v9;
	v0 =	vadd.f32 v29, v0;
	v9 =	vld [tilespmem:s10+$0x9F0]  }
0x18a: {  	v2 =	vadd.f32 v8, v2;
	v3 =	vadd.f32 v10, v3;
	v8 =	vld [tilespmem:s10+$0xDA0]  }
0x18b: {  	v5 =	vadd.f32 v26, v5;
	v0 =	vadd.f32 v27, v0;
	v10 =	vld [tilespmem:s10+$0xDB0]  }
0x18c: {  	v2 =	vadd.f32 v11, v2;
	v3 =	vadd.f32 v18, v3;
	v11 =	vld [tilespmem:s10+$0xDE0]  }
0x18d: {  	v5 =	vadd.f32 v20, v5;
	v0 =	vadd.f32 v25, v0;
	v18 =	vld [tilespmem:s10+$0xDF0]  }
0x18e: {  	v2 =	vadd.f32 v4, v2;
	v25 =	vld [tilespmem:s10+$0x0];
	v3 =	vadd.f32 v9, v3  }
0x18f: {  	v5 =	vadd.f32 v23, v5;
	v0 =	vadd.f32 v24, v0;
	v4 =	vld [tilespmem:s10+$0x10]  }
0x190: {  	s0 =	sadd.s32 $0x4, s0;
	v2 =	vadd.f32 v8, v2;
	v9 =	vld [tilespmem:s10+$0x20];
	v3 =	vadd.f32 v10, v3  }
0x191: {  	v5 =	vadd.f32 v21, v5;
	v0 =	vadd.f32 v22, v0;
	v8 =	vld [tilespmem:s0+$0x0]  }
0x192: {  	v2 =	vadd.f32 v11, v2;
	v10 =	vld [tilespmem:s10+$0x30];
	v3 =	vadd.f32 v18, v3  }
0x193: {  	v11 =	vld [tilespmem:s10+$0x40]  }
0x194: {  	v0 =	vadd.f32 v0, v5;
	v21 =	vld [tilespmem:s10+$0x50];
	v2 =	vadd.f32 v3, v2  }
0x195: {  	v3 =	vld [tilespmem:s10+$0x60]  }
0x196: {  	v5 =	vld [tilespmem:s10+$0x70];
	v20 =	vperm.xlane v8, v12;
	v0 =	vadd.f32 v2, v0;
	v2 =	vperm.xlane v8, v7  }
0x197: {  	v19 =	vperm.xlane v8, v6;
	v18 =	vperm.xlane v8, v1;
	v22 =	vld [tilespmem:s10+$0x80]  }
0x198: {  	v8 =	vadd.f32 v11, v25;
	v11 =	vld [tilespmem:s10+$0x90];
	v0 =	vmul.f32 v0, v2  }
0x199: {  	v2 =	vadd.f32 v21, v4;
	v4 =	vld [tilespmem:s10+$0xA0]  }
0x19a: {  	v3 =	vadd.f32 v3, v9;
	v9 =	vld [tilespmem:s10+$0xB0];
	v14 =	vadd.f32 v0, v14  }
0x19b: {  	v0 =	vadd.f32 v5, v10;
	v5 =	vld [tilespmem:s10+$0xC0]  }
0x19c: {  	v10 =	vld [tilespmem:s10+$0xD0]  }
0x19d: {  	v21 =	vld [tilespmem:s10+$0xE0]  }
0x19e: {  	v23 =	vld [tilespmem:s10+$0xF0]  }
0x19f: {  	v24 =	vld [tilespmem:s10+$0x100]  }
0x1a0: {  	v5 =	vadd.f32 v5, v22;
	v22 =	vld [tilespmem:s10+$0x110]  }
0x1a1: {  	v10 =	vadd.f32 v10, v11;
	v11 =	vld [tilespmem:s10+$0x120]  }
0x1a2: {  	v4 =	vadd.f32 v21, v4;
	v21 =	vld [tilespmem:s10+$0x130]  }
0x1a3: {  	v9 =	vadd.f32 v23, v9;
	v23 =	vld [tilespmem:s10+$0x140]  }
0x1a4: {  	v25 =	vld [tilespmem:s10+$0x150]  }
0x1a5: {  	v26 =	vld [tilespmem:s10+$0x160]  }
0x1a6: {  	v27 =	vld [tilespmem:s10+$0x170]  }
0x1a7: {  	v28 =	vld [tilespmem:s10+$0x400]  }
0x1a8: {  	v29 =	vld [tilespmem:s10+$0x410];
	v23 =	vadd.f32 v23, v24  }
0x1a9: {  	v24 =	vld [tilespmem:s10+$0x420];
	v22 =	vadd.f32 v25, v22  }
0x1aa: {  	v25 =	vld [tilespmem:s10+$0x430];
	v11 =	vadd.f32 v26, v11  }
0x1ab: {  	v26 =	vld [tilespmem:s10+$0x480];
	v21 =	vadd.f32 v27, v21  }
0x1ac: {  	v8 =	vadd.f32 v28, v8;
	v27 =	vld [tilespmem:s10+$0x490]  }
0x1ad: {  	v2 =	vadd.f32 v29, v2;
	v28 =	vld [tilespmem:s10+$0x4A0]  }
0x1ae: {  	v3 =	vadd.f32 v24, v3;
	v24 =	vld [tilespmem:s10+$0x4B0]  }
0x1af: {  	v0 =	vadd.f32 v25, v0;
	v25 =	vld [tilespmem:s10+$0x500]  }
0x1b0: {  	v5 =	vadd.f32 v26, v5;
	v26 =	vld [tilespmem:s10+$0x510]  }
0x1b1: {  	v10 =	vadd.f32 v27, v10;
	v27 =	vld [tilespmem:s10+$0x520]  }
0x1b2: {  	v4 =	vadd.f32 v28, v4;
	v28 =	vld [tilespmem:s10+$0x530]  }
0x1b3: {  	v29 =	vld [tilespmem:s10+$0x440];
	v9 =	vadd.f32 v24, v9  }
0x1b4: {  	v24 =	vld [tilespmem:s10+$0x450];
	v23 =	vadd.f32 v25, v23  }
0x1b5: {  	v25 =	vld [tilespmem:s10+$0x460];
	v22 =	vadd.f32 v26, v22  }
0x1b6: {  	v26 =	vld [tilespmem:s10+$0x470];
	v11 =	vadd.f32 v27, v11  }
0x1b7: {  	v27 =	vld [tilespmem:s10+$0x4C0];
	v21 =	vadd.f32 v28, v21  }
0x1b8: {  	v8 =	vadd.f32 v29, v8;
	v28 =	vld [tilespmem:s10+$0x4D0]  }
0x1b9: {  	v2 =	vadd.f32 v24, v2;
	v24 =	vld [tilespmem:s10+$0x4E0]  }
0x1ba: {  	v3 =	vadd.f32 v25, v3;
	v25 =	vld [tilespmem:s10+$0x4F0]  }
0x1bb: {  	v0 =	vadd.f32 v26, v0;
	v26 =	vld [tilespmem:s10+$0x540]  }
0x1bc: {  	v5 =	vadd.f32 v27, v5;
	v27 =	vld [tilespmem:s10+$0x550]  }
0x1bd: {  	v10 =	vadd.f32 v28, v10;
	v28 =	vld [tilespmem:s10+$0x560]  }
0x1be: {  	v4 =	vadd.f32 v24, v4;
	v24 =	vld [tilespmem:s10+$0x570]  }
0x1bf: {  	v29 =	vld [tilespmem:s10+$0x800];
	v9 =	vadd.f32 v25, v9  }
0x1c0: {  	v25 =	vld [tilespmem:s10+$0x810];
	v23 =	vadd.f32 v26, v23  }
0x1c1: {  	v26 =	vld [tilespmem:s10+$0x820];
	v22 =	vadd.f32 v27, v22  }
0x1c2: {  	v27 =	vld [tilespmem:s10+$0x830];
	v11 =	vadd.f32 v28, v11  }
0x1c3: {  	v28 =	vld [tilespmem:s10+$0x880];
	v21 =	vadd.f32 v24, v21  }
0x1c4: {  	v8 =	vadd.f32 v29, v8;
	v24 =	vld [tilespmem:s10+$0x890]  }
0x1c5: {  	v2 =	vadd.f32 v25, v2;
	v25 =	vld [tilespmem:s10+$0x8A0]  }
0x1c6: {  	v3 =	vadd.f32 v26, v3;
	v26 =	vld [tilespmem:s10+$0x8B0]  }
0x1c7: {  	v0 =	vadd.f32 v27, v0;
	v27 =	vld [tilespmem:s10+$0x900]  }
0x1c8: {  	v5 =	vadd.f32 v28, v5;
	v28 =	vld [tilespmem:s10+$0x910]  }
0x1c9: {  	v10 =	vadd.f32 v24, v10;
	v24 =	vld [tilespmem:s10+$0x920]  }
0x1ca: {  	v4 =	vadd.f32 v25, v4;
	v25 =	vld [tilespmem:s10+$0x930]  }
0x1cb: {  	v29 =	vld [tilespmem:s10+$0x840];
	v9 =	vadd.f32 v26, v9  }
0x1cc: {  	v26 =	vld [tilespmem:s10+$0x850];
	v23 =	vadd.f32 v27, v23  }
0x1cd: {  	v27 =	vld [tilespmem:s10+$0x860];
	v22 =	vadd.f32 v28, v22  }
0x1ce: {  	v28 =	vld [tilespmem:s10+$0x870];
	v11 =	vadd.f32 v24, v11  }
0x1cf: {  	v24 =	vld [tilespmem:s10+$0x8C0];
	v21 =	vadd.f32 v25, v21  }
0x1d0: {  	v8 =	vadd.f32 v29, v8;
	v25 =	vld [tilespmem:s10+$0x8D0]  }
0x1d1: {  	v2 =	vadd.f32 v26, v2;
	v26 =	vld [tilespmem:s10+$0x8E0]  }
0x1d2: {  	v3 =	vadd.f32 v27, v3;
	v27 =	vld [tilespmem:s10+$0x8F0]  }
0x1d3: {  	v0 =	vadd.f32 v28, v0;
	v28 =	vld [tilespmem:s10+$0x940]  }
0x1d4: {  	v5 =	vadd.f32 v24, v5;
	v24 =	vld [tilespmem:s10+$0x950]  }
0x1d5: {  	v10 =	vadd.f32 v25, v10;
	v25 =	vld [tilespmem:s10+$0x960]  }
0x1d6: {  	v4 =	vadd.f32 v26, v4;
	v26 =	vld [tilespmem:s10+$0x970]  }
0x1d7: {  	v29 =	vld [tilespmem:s10+$0xC00];
	v9 =	vadd.f32 v27, v9  }
0x1d8: {  	v27 =	vld [tilespmem:s10+$0xC10];
	v23 =	vadd.f32 v28, v23  }
0x1d9: {  	v28 =	vld [tilespmem:s10+$0xC20];
	v22 =	vadd.f32 v24, v22  }
0x1da: {  	v24 =	vld [tilespmem:s10+$0xC30];
	v11 =	vadd.f32 v25, v11  }
0x1db: {  	v25 =	vld [tilespmem:s10+$0xC80];
	v21 =	vadd.f32 v26, v21  }
0x1dc: {  	v8 =	vadd.f32 v29, v8;
	v26 =	vld [tilespmem:s10+$0xC90]  }
0x1dd: {  	v2 =	vadd.f32 v27, v2;
	v27 =	vld [tilespmem:s10+$0xCA0]  }
0x1de: {  	v3 =	vadd.f32 v28, v3;
	v28 =	vld [tilespmem:s10+$0xCB0]  }
0x1df: {  	v0 =	vadd.f32 v24, v0;
	v24 =	vld [tilespmem:s10+$0xD00]  }
0x1e0: {  	v5 =	vadd.f32 v25, v5;
	v25 =	vld [tilespmem:s10+$0xD10]  }
0x1e1: {  	v10 =	vadd.f32 v26, v10;
	v26 =	vld [tilespmem:s10+$0xD20]  }
0x1e2: {  	v4 =	vadd.f32 v27, v4;
	v27 =	vld [tilespmem:s10+$0xD30]  }
0x1e3: {  	v29 =	vld [tilespmem:s10+$0xC40];
	v9 =	vadd.f32 v28, v9  }
0x1e4: {  	v28 =	vld [tilespmem:s10+$0xC50];
	v23 =	vadd.f32 v24, v23  }
0x1e5: {  	v24 =	vld [tilespmem:s10+$0xC60];
	v25 =	vadd.f32 v25, v22  }
0x1e6: {  	v22 =	vld [tilespmem:s10+$0xC70];
	v11 =	vadd.f32 v26, v11  }
0x1e7: {  	v26 =	vld [tilespmem:s10+$0xCC0];
	v27 =	vadd.f32 v27, v21  }
0x1e8: {  	v8 =	vadd.f32 v29, v8;
	v21 =	vld [tilespmem:s10+$0xCD0]  }
0x1e9: {  	v2 =	vadd.f32 v28, v2;
	v28 =	vld [tilespmem:s10+$0xCE0]  }
0x1ea: {  	v3 =	vadd.f32 v24, v3;
	v24 =	vld [tilespmem:s10+$0xCF0]  }
0x1eb: {  	v0 =	vadd.f32 v22, v0;
	v2 =	vadd.f32 v2, v8;
	v8 =	vld [tilespmem:s10+$0xD40]  }
0x1ec: {  	s15 =	sand.u32 $0x7000, s14;
	s13 =	sadd.s32 $0x200, s13;
	v5 =	vadd.f32 v26, v5;
	v26 =	vld [tilespmem:s10+$0xD50]  }
0x1ed: {  	s16 =	sand.u32 $0x200, s13;
	s15 =	sadd.s32 s15, s1;
	v0 =	vadd.f32 v0, v3;
	v3 =	vadd.f32 v21, v10;
	v10 =	vld [tilespmem:s10+$0xD60]  }
0x1ee: {  	v4 =	vadd.f32 v28, v4;
	v28 =	vld [tilespmem:s10+$0xD70];
	s10 =	sadd.s32 s16, s15  }
0x1ef: {  	v21 =	vld [tilespmem:s10+$0xDC0];
	v9 =	vadd.f32 v24, v9;
	v3 =	vadd.f32 v3, v5  }
0x1f0: {  	v0 =	vadd.f32 v0, v2;
	v22 =	vld [tilespmem:s10+$0xDD0];
	v2 =	vadd.f32 v8, v23  }
0x1f1: {  	v23 =	vld [tilespmem:s10+$0xD80];
	v4 =	vadd.f32 v9, v4;
	v5 =	vadd.f32 v26, v25  }
0x1f2: {  	v0 =	vmul.f32 v0, v20;
	v24 =	vld [tilespmem:s10+$0xD90];
	v8 =	vadd.f32 v10, v11  }
0x1f3: {  	v20 =	vld [tilespmem:s10+$0x9C0];
	v9 =	vadd.f32 v28, v27;
	v2 =	vadd.f32 v5, v2  }
0x1f4: {  	v15 =	vadd.f32 v0, v15;
	v0 =	vadd.f32 v4, v3;
	v25 =	vld [tilespmem:s10+$0x9D0]  }
0x1f5: {  	v26 =	vld [tilespmem:s10+$0x980];
	v3 =	vadd.f32 v9, v8  }
0x1f6: {  	v0 =	vmul.f32 v0, v19;
	v27 =	vld [tilespmem:s10+$0x990]  }
0x1f7: {  	v19 =	vld [tilespmem:s10+$0x5C0];
	v2 =	vadd.f32 v3, v2  }
0x1f8: {  	v16 =	vadd.f32 v0, v16;
	v29 =	vld [tilespmem:s10+$0x5D0]  }
0x1f9: {  	v30 =	vld [tilespmem:s10+$0x580];
	v0 =	vmul.f32 v2, v18  }
0x1fa: {  	v31 =	vld [tilespmem:s10+$0x590]  }
.Ltmp4:
0x1fb: {  	v18 =	vld [tilespmem:s10+$0x180];
	v17 =	vadd.f32 v0, v17;
	(pc) =	sbr.rel @!p0 .LBB2_11-.Ltmp4, $4  }
0x1fc: {  	v28 =	vld [tilespmem:s10+$0x190]  }
0x1fd: {  	v32 =	vld [tilespmem:s10+$0x1A0]  }
0x1fe: {  	v33 =	vld [tilespmem:s10+$0x1B0]  }
0x1ff: {  	s14 =	sadd.s32 $0x800, s14;
	v34 =	vld [tilespmem:s10+$0x1C0]  }
0x200: {  	v0 =	vld [tilespmem:s10+$0x1D0]  }
0x201: {  	v2 =	vld [tilespmem:s10+$0x1E0]  }
0x202: {  	v3 =	vld [tilespmem:s10+$0x1F0]  }
0x203: {  	v4 =	vld [tilespmem:s10+$0x5A0]  }
0x204: {  	v5 =	vld [tilespmem:s10+$0x5B0]  }
0x205: {  	v8 =	vld [tilespmem:s10+$0x5E0]  }
0x206: {  	v9 =	vld [tilespmem:s10+$0x5F0]  }
0x207: {  	v10 =	vld [tilespmem:s10+$0x9A0]  }
0x208: {  	v11 =	vld [tilespmem:s10+$0x9B0]  }
0x209: {  	v35 =	vld [tilespmem:s10+$0x9E0]  }
0x20a: {  	v36 =	vld [tilespmem:s10+$0x9F0]  }
0x20b: {  	v37 =	vld [tilespmem:s10+$0xDA0]  }
0x20c: {  	v38 =	vld [tilespmem:s10+$0xDB0]  }
0x20d: {  	v39 =	vld [tilespmem:s10+$0xDE0]  }
0x20e: {  	v40 =	vld [tilespmem:s10+$0xDF0]  }
0x20f: {  	v41 =	vld [tilespmem:s10+$0x0]  }
0x210: {  	v56 =	vld [tilespmem:s10+$0x10]  }
0x211: {  	v57 =	vld [tilespmem:s10+$0x20]  }
0x212: {  	v58 =	vld [tilespmem:s10+$0x30]  }
0x213: {  	v47 =	vld [tilespmem:s10+$0x40]  }
0x214: {  	v46 =	vld [tilespmem:s10+$0x50]  }
0x215: {  	v51 =	vld [tilespmem:s10+$0x60]  }
0x216: {  	v59 =	vld [tilespmem:s10+$0x70]  }
0x217: {  	v60 =	vld [tilespmem:s10+$0x80]  }
0x218: {  	v61 =	vld [tilespmem:s10+$0x90]  }
0x219: {  	v62 =	vld [tilespmem:s10+$0xA0]  }
0x21a: {  	v63 =	vld [tilespmem:s10+$0xB0]  }
0x21b: {  	v53 =	vld [tilespmem:s10+$0xC0]  }
0x21c: {  	v54 =	vld [tilespmem:s10+$0xD0]  }
0x21d: {  	v55 =	vld [tilespmem:s10+$0xE0]  }
0x21e: {  	v42 =	vld [tilespmem:s10+$0x400]  }
0x21f: {  	v43 =	vld [tilespmem:s10+$0x410]  }
0x220: {  	v44 =	vld [tilespmem:s10+$0x420]  }
0x221: {  	v45 =	vld [tilespmem:s10+$0x430]  }
0x222: {  	v48 =	vld [tilespmem:s10+$0x480]  }
0x223: {  	v49 =	vld [tilespmem:s10+$0x490]  }
0x224: {  	v52 =	vld [tilespmem:s10+$0x4A0]  }
0x225: {  	v50 =	vld [tilespmem:s10+$0x4B0]  }
0x226: {  	[tilespmem:$0x1FD60] =	vst v56;
	v56 =	vld [tilespmem:s10+$0xF0]  }
0x227: {  	[tilespmem:$0x1FD70] =	vst v57;
	v57 =	vld [tilespmem:s10+$0x100]  }
0x228: {  	[tilespmem:$0x1FD80] =	vst v58;
	v58 =	vld [tilespmem:s10+$0x110]  }
0x229: {  	[tilespmem:$0x1FD90] =	vst v59;
	v59 =	vld [tilespmem:s10+$0x120]  }
0x22a: {  	[tilespmem:$0x1FDA0] =	vst v60;
	v60 =	vld [tilespmem:s10+$0x130]  }
0x22b: {  	[tilespmem:$0x1FDB0] =	vst v61;
	v61 =	vld [tilespmem:s10+$0x140]  }
0x22c: {  	[tilespmem:$0x1FDC0] =	vst v62;
	v62 =	vld [tilespmem:s10+$0x150]  }
0x22d: {  	[tilespmem:$0x1FDD0] =	vst v63;
	v63 =	vld [tilespmem:s10+$0x160]  }
0x22e: {  	[tilespmem:$0x1FD50] =	vst v41;
	v41 =	vld [tilespmem:s10+$0x170]  }
0x22f: {  	[tilespmem:$0x1FDE0] =	vst v50;
	v50 =	vld [tilespmem:s10+$0x500]  }
0x230: {  	v0 =	vadd.f32 v0, v28;
	v28 =	vld [tilespmem:s10+$0x4C0]  }
0x231: {  	v18 =	vadd.f32 v34, v18;
	v2 =	vadd.f32 v2, v32;
	v32 =	vld [tilespmem:s10+$0x4D0]  }
0x232: {  	v3 =	vadd.f32 v3, v33;
	v33 =	vld [tilespmem:s10+$0x930]  }
0x233: {  	v18 =	vadd.f32 v30, v18;
	v30 =	vld [tilespmem:s10+$0x4E0]  }
0x234: {  	v2 =	vadd.f32 v4, v2;
	v4 =	vld [tilespmem:s10+$0x4F0]  }
0x235: {  	v3 =	vadd.f32 v5, v3;
	v5 =	vadd.f32 v19, v18;
	v19 =	vld [tilespmem:s10+$0x540]  }
0x236: {  	v2 =	vadd.f32 v8, v2;
	v8 =	vld [tilespmem:s10+$0x550]  }
0x237: {  	v0 =	vadd.f32 v31, v0;
	v3 =	vadd.f32 v9, v3;
	v9 =	vld [tilespmem:s10+$0x560]  }
0x238: {  	[tilespmem:$0x1FDF0] =	vst v50;
	v50 =	vld [tilespmem:s10+$0x510]  }
0x239: {  	v0 =	vadd.f32 v29, v0;
	v2 =	vadd.f32 v10, v2;
	v10 =	vld [tilespmem:s10+$0x570]  }
0x23a: {  	v5 =	vadd.f32 v26, v5;
	v3 =	vadd.f32 v11, v3;
	v11 =	vld [tilespmem:s10+$0x800]  }
0x23b: {  	v0 =	vadd.f32 v27, v0;
	v27 =	vld [tilespmem:s10+$0x920]  }
0x23c: {  	v5 =	vadd.f32 v20, v5;
	v20 =	vld [tilespmem:s10+$0x810]  }
0x23d: {  	v0 =	vadd.f32 v25, v0;
	v25 =	vld [tilespmem:s10+$0x8A0]  }
0x23e: {  	v3 =	vadd.f32 v36, v3;
	v36 =	vld [tilespmem:s10+$0x840]  }
0x23f: {  	v5 =	vadd.f32 v23, v5;
	v23 =	vld [tilespmem:s10+$0x820]  }
0x240: {  	[tilespmem:$0x1FE00] =	vst v50;
	v50 =	vld [tilespmem:s10+$0x520]  }
0x241: {  	v2 =	vadd.f32 v35, v2;
	v0 =	vadd.f32 v24, v0;
	v24 =	vld [tilespmem:s10+$0x830]  }
0x242: {  	v61 =	vadd.f32 v61, v57;
	v5 =	vadd.f32 v21, v5;
	v21 =	vld [tilespmem:s10+$0x880]  }
0x243: {  	v2 =	vadd.f32 v37, v2;
	v3 =	vadd.f32 v38, v3;
	v57 =	vld [tilespmem:$0x1FE00]  }
0x244: {  	v0 =	vadd.f32 v22, v0;
	v22 =	vld [tilespmem:s10+$0x890]  }
0x245: {  	v2 =	vadd.f32 v39, v2;
	v3 =	vadd.f32 v40, v3;
	v40 =	vld [tilespmem:$0x1FD60]  }
0x246: {  	v39 =	vld [tilespmem:s10+$0x850]  }
0x247: {  	v2 =	vadd.f32 v3, v2;
	v3 =	vld [tilespmem:s10+$0x8B0]  }
0x248: {  	v0 =	vadd.f32 v0, v5;
	v5 =	vld [tilespmem:s10+$0x900]  }
0x249: {  	[tilespmem:$0x1FE10] =	vst v50;
	v50 =	vld [tilespmem:s10+$0x530]  }
0x24a: {  	v18 =	vadd.f32 v2, v0;
	v0 =	vld [tilespmem:s10+$0x910]  }
0x24b: {  	v2 =	vld [tilespmem:$0x1FD50]  }
0x24c: {  	v26 =	vadd.f32 v46, v40;
	v46 =	vld [tilespmem:$0x1FD70]  }
0x24d: {  	v62 =	vadd.f32 v62, v58;
	v58 =	vld [tilespmem:$0x1FE10]  }
0x24e: {  	v26 =	vadd.f32 v43, v26;
	v43 =	vld [tilespmem:s10+$0x8D0]  }
0x24f: {  	[tilespmem:$0x1FE20] =	vst v50;
	v50 =	vld [tilespmem:s10+$0x440]  }
0x250: {  	v2 =	vadd.f32 v47, v2;
	v47 =	vld [tilespmem:$0x1FD80]  }
0x251: {  	v29 =	vadd.f32 v51, v46;
	v51 =	vld [tilespmem:$0x1FDA0]  }
0x252: {  	v46 =	vadd.f32 v57, v62;
	v57 =	vld [tilespmem:s10+$0xC10]  }
0x253: {  	v2 =	vadd.f32 v42, v2;
	v42 =	vld [tilespmem:s10+$0x8C0]  }
0x254: {  	v29 =	vadd.f32 v44, v29;
	v44 =	vld [tilespmem:s10+$0x8E0]  }
0x255: {  	[tilespmem:$0x1FE30] =	vst v50;
	v50 =	vld [tilespmem:s10+$0x450]  }
0x256: {  	v8 =	vadd.f32 v8, v46;
	v46 =	vld [tilespmem:s10+$0xD30]  }
0x257: {  	v34 =	vadd.f32 v53, v51;
	v53 =	vld [tilespmem:$0x1FDB0]  }
0x258: {  	v41 =	vadd.f32 v41, v60;
	v60 =	vld [tilespmem:$0x1FE30]  }
0x259: {  	v0 =	vadd.f32 v0, v8;
	v8 =	vld [tilespmem:s10+$0xD00]  }
0x25a: {  	[tilespmem:$0x1FE40] =	vst v50;
	v50 =	vld [tilespmem:s10+$0x460]  }
0x25b: {  	v51 =	vld [tilespmem:s10+$0x870]  }
0x25c: {  	v35 =	vadd.f32 v54, v53;
	v54 =	vld [tilespmem:$0x1FDC0]  }
0x25d: {  	v34 =	vadd.f32 v48, v34;
	v48 =	vld [tilespmem:s10+$0x940]  }
0x25e: {  	v53 =	vld [tilespmem:s10+$0x970]  }
0x25f: {  	[tilespmem:$0x1FE50] =	vst v50;
	v50 =	vld [tilespmem:s10+$0x470]  }
0x260: {  	v62 =	vld [tilespmem:$0x1FE50]  }
0x261: {  	v37 =	vadd.f32 v55, v54;
	v55 =	vld [tilespmem:$0x1FDD0]  }
0x262: {  	v2 =	vadd.f32 v60, v2;
	v54 =	vadd.f32 v63, v59;
	v59 =	vld [tilespmem:$0x1FE20]  }
0x263: {  	v28 =	vadd.f32 v28, v34;
	v37 =	vadd.f32 v52, v37;
	v52 =	vld [tilespmem:s10+$0x960]  }
0x264: {  	v35 =	vadd.f32 v49, v35;
	v49 =	vadd.f32 v58, v54;
	v58 =	vld [tilespmem:s10+$0xC20]  }
0x265: {  	[tilespmem:$0x1FE60] =	vst v50;
	v50 =	vld [tilespmem:$0x1FD90]  }
0x266: {  	v2 =	vadd.f32 v11, v2;
	v21 =	vadd.f32 v21, v28;
	v63 =	vld [tilespmem:$0x1FE60]  }
0x267: {  	v32 =	vadd.f32 v32, v35;
	v29 =	vadd.f32 v62, v29;
	v62 =	vld [tilespmem:s10+$0xC90]  }
0x268: {  	v2 =	vadd.f32 v36, v2;
	v9 =	vadd.f32 v9, v49;
	v49 =	vld [tilespmem:s10+$0xC50]  }
0x269: {  	v22 =	vadd.f32 v22, v32;
	v38 =	vadd.f32 v56, v55;
	v55 =	vld [tilespmem:$0x1FDE0]  }
0x26a: {  	v30 =	vadd.f32 v30, v37;
	v56 =	vld [tilespmem:$0x1FDF0];
	v41 =	vadd.f32 v59, v41  }
0x26b: {  	v21 =	vadd.f32 v42, v21;
	v22 =	vadd.f32 v43, v22;
	v59 =	vld [tilespmem:s10+$0xC30]  }
0x26c: {  	v25 =	vadd.f32 v25, v30;
	v10 =	vadd.f32 v10, v41;
	v41 =	vld [tilespmem:s10+$0xD20]  }
0x26d: {  	v9 =	vadd.f32 v27, v9;
	v31 =	vadd.f32 v50, v47;
	v47 =	vld [tilespmem:s10+$0x860]  }
0x26e: {  	v23 =	vadd.f32 v23, v29;
	v50 =	vld [tilespmem:s10+$0x950];
	v25 =	vadd.f32 v44, v25  }
0x26f: {  	v9 =	vadd.f32 v52, v9;
	v52 =	vld [tilespmem:s10+$0xCC0];
	v10 =	vadd.f32 v33, v10  }
0x270: {  	v54 =	vadd.f32 v62, v22;
	v31 =	vadd.f32 v45, v31;
	v45 =	vld [tilespmem:s10+$0x8F0]  }
0x271: {  	v38 =	vadd.f32 v55, v38;
	v40 =	vadd.f32 v56, v61;
	v61 =	vld [tilespmem:$0x1FE40]  }
0x272: {  	v56 =	vld [tilespmem:s10+$0xC00];
	v10 =	vadd.f32 v53, v10;
	v31 =	vadd.f32 v63, v31  }
0x273: {  	v55 =	vld [tilespmem:s10+$0xCE0];
	v4 =	vadd.f32 v4, v38;
	v19 =	vadd.f32 v19, v40  }
0x274: {  	v53 =	vld [tilespmem:s10+$0xCD0];
	v9 =	vadd.f32 v41, v9;
	v23 =	vadd.f32 v47, v23  }
0x275: {  	v63 =	vld [tilespmem:s10+$0xCA0];
	v0 =	vadd.f32 v50, v0;
	v10 =	vadd.f32 v46, v10  }
0x276: {  	v40 =	vld [tilespmem:s10+$0xD10];
	v24 =	vadd.f32 v24, v31;
	v3 =	vadd.f32 v3, v4  }
0x277: {  	v47 =	vld [tilespmem:s10+$0xC40];
	v5 =	vadd.f32 v5, v19;
	v26 =	vadd.f32 v61, v26  }
0x278: {  	v50 =	vld [tilespmem:s10+$0xC60];
	v2 =	vadd.f32 v56, v2;
	v23 =	vadd.f32 v58, v23  }
0x279: {  	v4 =	vld [tilespmem:s10+$0xCB0];
	v24 =	vadd.f32 v51, v24;
	v3 =	vadd.f32 v45, v3  }
0x27a: {  	v61 =	vld [tilespmem:s10+$0xC80];
	v5 =	vadd.f32 v48, v5;
	v60 =	vadd.f32 v20, v26  }
0x27b: {  	v56 =	vld [tilespmem:s10+$0xD50];
	v25 =	vadd.f32 v63, v25;
	v0 =	vadd.f32 v40, v0  }
0x27c: {  	v51 =	vld [tilespmem:s10+$0xC70];
	v24 =	vadd.f32 v59, v24;
	v5 =	vadd.f32 v8, v5  }
0x27d: {  	v58 =	vld [tilespmem:s10+$0xD70];
	v2 =	vadd.f32 v47, v2;
	v23 =	vadd.f32 v50, v23  }
0x27e: {  	v11 =	vadd.f32 v39, v60;
	v3 =	vadd.f32 v4, v3;
	v4 =	vld [tilespmem:s10+$0xCF0]  }
0x27f: {  	v8 =	vld [tilespmem:s10+$0xD40];
	v22 =	vadd.f32 v55, v25;
	v20 =	vadd.f32 v61, v21  }
0x280: {  	v21 =	vadd.f32 v53, v54;
	v11 =	vadd.f32 v57, v11;
	v57 =	vld [tilespmem:s10+$0xD60]  }
0x281: {  	s0 =	sadd.s32 $0x4, s0;
	v0 =	vadd.f32 v56, v0;
	v24 =	vadd.f32 v51, v24  }
0x282: {  	v60 =	vld [tilespmem:s0+$0x0];
	v59 =	vadd.f32 v52, v20;
	v11 =	vadd.f32 v49, v11  }
0x283: {  	v23 =	vadd.f32 v24, v23;
	v3 =	vadd.f32 v4, v3  }
0x284: {  	v4 =	vadd.f32 v8, v5;
	v8 =	vadd.f32 v58, v10  }
0x285: {  	v61 =	vadd.f32 v21, v59;
	v5 =	vadd.f32 v57, v9  }
0x286: {  	v2 =	vadd.f32 v11, v2;
	v3 =	vadd.f32 v3, v22  }
0x287: {  	v62 =	vperm.xlane v60, v12;
	v0 =	vadd.f32 v0, v4;
	v4 =	vadd.f32 v8, v5  }
0x288: {  	v63 =	vperm.xlane v60, v1;
	v2 =	vadd.f32 v23, v2;
	v5 =	vperm.xlane v60, v7  }
0x289: {  	v8 =	vperm.xlane v60, v6;
	v3 =	vadd.f32 v3, v61;
	v0 =	vadd.f32 v4, v0  }
0x28a: {  	v2 =	vmul.f32 v2, v62;
	v4 =	vmul.f32 v18, v5  }
0x28b: {  	v3 =	vmul.f32 v3, v8;
	v0 =	vmul.f32 v0, v63  }
0x28c: {  	v5 =	vadd.f32 v2, v15;
	v4 =	vadd.f32 v4, v14  }
0x28d: {  	v3 =	vadd.f32 v3, v16;
	v2 =	vadd.f32 v0, v17  }
0x28e: {  	p0 =	seq.s32 s3, $0x4  }
.Ltmp5:
0x28f: {  	_ = 	snop;
	(pc) =	sbr.rel @!p0 .LBB2_8-.Ltmp5, $2  }
0x290: {  	_ =	sdelay $0x2  }
0x291: {  	s12 =	sadd.s32 $0x40, s12;
	s0 =	smov.u32 s3  }
0x292: {  	v0 =	vadd.f32 v3, v5;
	v2 =	vadd.f32 v4, v2;
	_ =	sdelay $0x1  }
0x293: {  	v0 =	vadd.f32 v2, v0  }
0x294: {  	s31 =	sadd.s32 $0x1, s31  }
0x295: {  	p0 =	sne.s32 s31, s8;
	[tilespmem:$0x10300] =	vst v0  }
0x296: {  	[hbm4b:s7+s4] =	stream.linear.scatter [tilespmem:s29], [sflag:$0x3], $0x80, $0x38;
	[tilespmem:$0x10380] =	vst v63  }
.Ltmp6:
0x297: {  	_ = 	snop;
	(pc) =	sbr.rel @p0 .LBB2_1-.Ltmp6, $4  }
.Ltmp7:
0x298: {  	_ = 	snop;
	(pc) =	sbr.rel @!p0 .LBB2_14-.Ltmp7, $4  }
0x299: {  	_ =	swait.ge [sflag:s30], $0x80  }
0x29a: {  	[sflag:s30] =	ssyncset.done $0x0  }
0x29b: {  	v0 =	vlaneseq.u32;
	[sflag:s30] =	ssyncadd.s32 $0xFFFFFF80  }
0x29c: {  	_ = 	snop  }
.LBB2_2:
.Ltmp8:
0x29d: {  	(pc) =	sbr.rel .LBB2_6-.Ltmp8, $2  }
0x29e: {  	_ =	sdelay $0x2  }
0x29f: {  	v24 =	vmov v15;
	s1 =	smov.u32 s9;
	s0 =	simm.s32 $0x0  }
.LBB2_4:
.Ltmp9:
0x2a0: {  	(pc) =	sbr.rel .LBB2_6-.Ltmp9, $2  }
0x2a1: {  	_ =	sdelay $0x2  }
0x2a2: {  	s10 =	smov.u32 s9;
	s3 =	simm.s32 $0x0  }
.LBB2_14:
0x2a3: {  	_ =	sfence.sel $0x180000  }
0x2a4: {  	[bflag:$0x0] =	sbarrier.arrive $0xFFFF  }
0x2a5: {  	_ =	strace $0x90000047  }
0x2a6: {  	s0 =	stileid.u32;
	[bflag:$0x2] =	sbarrier.arrive $0xFFFF  }
0x2a7: {  	p0 =	sne.s32 s0, $0x0;
	s0 =	rddreg [dreg:$0x4]  }
0x2a8: {  	s0 =	sadd.s32 @!p0 $0x100000, s0  }
0x2a9: {  	[sflag:s0] =	ssyncadd.tile.s32 @!p0 $0x1;
	_ =	shalt  }
.Lfunc_end2:
_tile_overlayer_lowered:
.L_overlay_start_2:
0x2aa: {  	(tag) =	ssettag $0x2  }
0x2ab: {  	s0 =	rddreg [dreg:$0x0];
	s2 =	stileid.u32  }
0x2ac: {  	s1 =	rddreg [dreg:$0x1];
	p0 =	sne.s32 s2, $0x0  }
0x2ad: {  	s3 =	rddreg [dreg:$0x2];
	[bflag:$0x3] =	sbarrier.arrive $0xFFFF;
	s2 =	simm.s32 @!p0 $0x1C03  }
0x2ae: {  	[timem:s3], [sflag:s2] =	dma.local @!p0 [hbm:s0], s1  }
0x2af: {  	s0 =	simm.s32 @!p0 $0x3  }
0x2b0: {  	_ =	swait.ge @!p0 [sflag:s0], s1  }
0x2b1: {  	s1 =	ssub.s32 @!p0 $0x0, s1;
	[sflag:s0] =	ssyncset.done @!p0 $0x0  }
0x2b2: {  	[sflag:s0] =	ssyncadd.s32 @!p0 s1  }
0x2b3: {  	[bflag:$0x3] =	sbarrier.arrive $0xFFFF  }
0x2b4: {  	_ =	shalt  }

</sc_bundles>
